<compile_context>
chip_gen: v7x
topology: tpu7x:2x2x1
jax: 0.10.2.dev20260603
libtpu: 0.0.44.dev20260713+nightly
codegen_flags: <defaults>
</compile_context>

<pallas_src>
import functools
import math

import jax
import jax.numpy as jnp
from jax import lax
from jax.experimental import pallas as pl
from jax.experimental.pallas import tpu as pltpu
from jax.experimental.pallas import tpu_sc as plsc

_DT_SCALE = float(math.log1p(168.0))
_NUM_CORES = 2
_NUM_SUBCORES = 16
_NW = _NUM_CORES * _NUM_SUBCORES
_LANES = 16
_TBL = 15

_TC_BLK = 32768


@functools.lru_cache(maxsize=None)
def _build_sc_kernel(n, s, chunk, unroll):
    per_worker = s // _NW
    n_chunks = per_worker // chunk
    assert n_chunks % 2 == 0 and n_chunks >= 4
    mesh = plsc.VectorSubcoreMesh(
        core_axis_name="c", subcore_axis_name="s",
        num_cores=_NUM_CORES, num_subcores=_NUM_SUBCORES)

    @functools.partial(
        pl.kernel,
        out_type=jax.ShapeDtypeStruct((n,), jnp.float32),
        mesh=mesh,
        compiler_params=pltpu.CompilerParams(
            needs_layout_passes=False, skip_device_barrier=True),
        scratch_types=[
            pltpu.VMEM((_LANES,), jnp.float32),
            pltpu.VMEM((_LANES,), jnp.float32),
            [pltpu.VMEM((chunk,), jnp.float32)] * 2,
            [pltpu.VMEM((chunk,), jnp.float32)] * 2,
            [pltpu.VMEM((chunk,), jnp.int32)] * 2,
            [pltpu.VMEM((chunk,), jnp.float32)] * 2,
            [pltpu.SemaphoreType.DMA] * 2,
            [pltpu.SemaphoreType.DMA] * 2,
        ],
    )
    def sc_kernel(mpc_hbm, dt_hbm, idx_hbm, ltau_hbm, out_hbm,
                  ltau_v, tbl_v, mpc_v, dt_v, idx_v, out_v, in_sem, out_sem):
        wid = lax.axis_index("s") * _NUM_CORES + lax.axis_index("c")
        pltpu.sync_copy(ltau_hbm, ltau_v.at[pl.ds(0, _TBL)])
        tbl_v[...] = -jnp.exp(-ltau_v[...])
        base = wid * per_worker

        def in_copies(c, b):
            off = base + c * chunk
            return (
                pltpu.make_async_copy(mpc_hbm.at[pl.ds(off, chunk)], mpc_v[b], in_sem[b]),
                pltpu.make_async_copy(dt_hbm.at[pl.ds(off, chunk)], dt_v[b], in_sem[b]),
                pltpu.make_async_copy(idx_hbm.at[pl.ds(off, chunk)], idx_v[b], in_sem[b]),
            )

        def out_copy(c, b):
            off = base + c * chunk
            return pltpu.make_async_copy(
                out_v[b], out_hbm.at[pl.ds(off, chunk)], out_sem[b])

        def start_in(c, b):
            for d in in_copies(c, b):
                d.start()

        def compute(b):
            @plsc.parallel_loop(0, chunk, step=_LANES, unroll=unroll)
            def _(i):
                sl = pl.ds(pl.multiple_of(i, _LANES), _LANES)
                g = plsc.load_gather(tbl_v, [idx_v[b][sl]])
                e = jnp.exp(dt_v[b][sl] * _DT_SCALE)
                decay = jnp.exp((e - 1.0) * g)
                out_v[b][sl] = 1.0 - (1.0 - mpc_v[b][sl]) * decay

        def step(c, b, p):
            for d in in_copies(c, b):
                d.wait()

            @pl.when(p > 0)
            def _():
                out_copy(c - 2, b).wait()

            compute(b)
            out_copy(c, b).start()

            @pl.when(p + 1 < n_chunks // 2)
            def _():
                start_in(c + 2, b)

        start_in(0, 0)
        start_in(1, 1)

        def pair_body(p, carry):
            c0 = p * 2
            step(c0, 0, p)
            step(c0 + 1, 1, p)
            return carry

        lax.fori_loop(0, n_chunks // 2, pair_body, 0)
        out_copy(n_chunks - 2, 0).wait()
        out_copy(n_chunks - 1, 1).wait()

    return sc_kernel


def _tc_body(nit_ref, mpc_ref, dt_ref, idx_ref, out_ref):
    m = mpc_ref[...]
    d = dt_ref[...]
    ii = idx_ref[...]
    g = jnp.full_like(m, nit_ref[0])
    for k in range(1, _TBL):
        g = jnp.where(ii == k, nit_ref[k], g)
    h = jnp.exp(d * _DT_SCALE) - 1.0
    out_ref[...] = 1.0 - (1.0 - m) * jnp.exp(h * g)


@functools.lru_cache(maxsize=None)
def _build_tc_kernel(n, s):
    m_len = n - s
    blk_off = s // _TC_BLK
    grid = (m_len // _TC_BLK,)
    data_spec = pl.BlockSpec((_TC_BLK,), lambda i: (blk_off + i,))
    return pl.pallas_call(
        _tc_body,
        grid=grid,
        in_specs=[
            pl.BlockSpec(memory_space=pltpu.SMEM),
            data_spec, data_spec, data_spec,
        ],
        out_specs=pl.BlockSpec((_TC_BLK,), lambda i: (i,)),
        out_shape=jax.ShapeDtypeStruct((m_len,), jnp.float32),
    )


def kernel(mpc, delta_t, muscle_idx, log_tau):
    n = mpc.shape[0]
    idx = muscle_idx.astype(jnp.int32)
    chunk = 7680
    s = (3 * n // 4) // (_NW * chunk * 2) * (_NW * chunk * 2)
    sc_out = _build_sc_kernel(n, s, chunk, 4)(mpc, delta_t, idx, log_tau)
    nit = -jnp.exp(-log_tau.astype(jnp.float32))
    tc_out = _build_tc_kernel(n, s)(nit, mpc, delta_t, idx)
    return lax.dynamic_update_slice(sc_out, tc_out, (s,))

# --- scband reference (transcript-rebuilt; emitter-appended) ---
"""Pipeline reference for scband-exponential-recovery-35399120453634 (READ-ONLY COPY).

The authoritative reference and input builder live on the scoring server;
editing this copy changes nothing except your own understanding.
"""

import jax, jax.numpy as jnp
import numpy as np
import math

DT_SCALE = float(np.log1p(168.0))
FIXED_TAU = [16.0, 13.0, 9.0, 8.0, 10.0, 9.0, 13.0, 13.0, 19.0, 18.0, 15.0, 12.0, 12.0, 8.0, 10.0]


def setup_inputs(seed: int = 0) -> dict:
    key = jax.random.key(seed)
    k1, k2, k3 = jax.random.split(key, 3)
    N = 3276800
    mpc = jax.random.uniform(k1, (N,), dtype=jnp.float32)
    delta_t = jax.random.uniform(k2, (N,), dtype=jnp.float32)
    muscle_idx = jax.random.randint(k3, (N,), 0, 15, dtype=jnp.int32).astype(jnp.int64)
    log_tau = jnp.array([math.log(t) for t in FIXED_TAU], dtype=jnp.float32)
    return {"mpc": mpc, "delta_t": delta_t, "muscle_idx": muscle_idx, "log_tau": log_tau}


def reference(mpc, delta_t, muscle_idx, log_tau):
    # dt_hours = expm1(delta_t * DT_SCALE)
    dt_hours = jnp.expm1(delta_t * DT_SCALE)
    # per-sample tau via gather from the 15-entry learned table
    tau = jnp.exp(jnp.take(log_tau, muscle_idx, axis=0))
    decay = jnp.exp(-dt_hours / tau)
    return 1.0 - (1.0 - mpc) * decay

if __name__ == "__main__":
    import jax
    _d = setup_inputs()
    print(jax.jit(kernel)(*tuple(_d.values())))

</pallas_src>

<mosaic_0001>
#map = affine_map<(d0, d1) -> (0)>
module attributes {stable_mosaic.version = 14 : i64} {
  func.func @sc_kernel(%arg0: i32, %arg1: i32, %arg2: memref<3276800xf32, #tpu.memory_space<hbm>>, %arg3: memref<3276800xf32, #tpu.memory_space<hbm>>, %arg4: memref<3276800xi32, #tpu.memory_space<hbm>>, %arg5: memref<15xf32, #tpu.memory_space<hbm>>, %arg6: memref<3276800xf32, #tpu.memory_space<hbm>>, %arg7: memref<16xf32, #tpu.memory_space<vmem>>, %arg8: memref<16xf32, #tpu.memory_space<vmem>>, %arg9: memref<7680xf32, #tpu.memory_space<vmem>>, %arg10: memref<7680xf32, #tpu.memory_space<vmem>>, %arg11: memref<7680xf32, #tpu.memory_space<vmem>>, %arg12: memref<7680xf32, #tpu.memory_space<vmem>>, %arg13: memref<7680xi32, #tpu.memory_space<vmem>>, %arg14: memref<7680xi32, #tpu.memory_space<vmem>>, %arg15: memref<7680xf32, #tpu.memory_space<vmem>>, %arg16: memref<7680xf32, #tpu.memory_space<vmem>>, %arg17: memref<!tpu.dma_semaphore, #tpu.memory_space<semaphore_mem>>, %arg18: memref<!tpu.dma_semaphore, #tpu.memory_space<semaphore_mem>>, %arg19: memref<!tpu.dma_semaphore, #tpu.memory_space<semaphore_mem>>, %arg20: memref<!tpu.dma_semaphore, #tpu.memory_space<semaphore_mem>>) attributes {dimension_semantics = [#tpu.dimension_semantics<core_parallel>, #tpu.dimension_semantics<subcore_parallel>], iteration_bounds = array<i64: 2, 16>, scalar_prefetch = 0 : i64, scratch_operands = 14 : i64, tpu.core_type = #tpu.core_type<sc_vector_subcore>, window_params = [{transform_indices = #map}, {transform_indices = #map}, {transform_indices = #map}, {transform_indices = #map}, {transform_indices = #map}]} {
    %mul3A = arith.constant 2 : i32
    %mul3A_0 = arith.muli %arg1, %mul3A : i32
    %add3A = arith.addi %mul3A_0, %arg0 : i32
    "tpu.region"() ({
      %run_scoped3A = tpu.sem_alloc : memref<!tpu.dma_semaphore, #tpu.memory_space<semaphore_mem>>
      %dma_start3A_37 = arith.constant 0 : i32
      %dma_start3A_38 = tpu.memref_slice %arg7[%dma_start3A_37] : memref<16xf32, #tpu.memory_space<vmem>> -> memref<15xf32, #tpu.memory_space<vmem>>
      %dma_start3A_39 = arith.constant 0 : i32
      %dma_start3A_40 = tpu.memref_slice %arg7[%dma_start3A_39] : memref<16xf32, #tpu.memory_space<vmem>> -> memref<15xf32, #tpu.memory_space<vmem>>
      tpu.enqueue_dma source(%arg5 : memref<15xf32, #tpu.memory_space<hbm>>) target(%dma_start3A_40 : memref<15xf32, #tpu.memory_space<vmem>>) target_semaphore(%run_scoped3A : memref<!tpu.dma_semaphore, #tpu.memory_space<semaphore_mem>>)
      %dma_wait3A_41 = arith.constant 0 : i32
      %dma_wait3A_42 = tpu.memref_slice %arg7[%dma_wait3A_41] : memref<16xf32, #tpu.memory_space<vmem>> -> memref<15xf32, #tpu.memory_space<vmem>>
      %dma_wait3A_43 = arith.constant 0 : i32
      %dma_wait3A_44 = tpu.memref_slice %arg7[%dma_wait3A_43] : memref<16xf32, #tpu.memory_space<vmem>> -> memref<15xf32, #tpu.memory_space<vmem>>
      tpu.wait_dma2 semaphore(%run_scoped3A : memref<!tpu.dma_semaphore, #tpu.memory_space<semaphore_mem>>) src(%arg5 : memref<15xf32, #tpu.memory_space<hbm>>) dst(%dma_wait3A_44 : memref<15xf32, #tpu.memory_space<vmem>>)
      tpu.yield
    }) : () -> ()
    %get3A = arith.constant 0 : index
    %get3A_1 = tpu.vector_load %arg7[%get3A] {strides = array<i32>} : memref<16xf32, #tpu.memory_space<vmem>>, vector<16xf32>,
    %neg3A = arith.constant 0.000000e+00 : f32
    %neg3A_2 = vector.broadcast %neg3A : f32 to vector<16xf32>
    %neg3A_3 = arith.subf %neg3A_2, %get3A_1 : vector<16xf32>
    %exp3A = math.exp %neg3A_3 : vector<16xf32>
    %neg3A_4 = arith.constant 0.000000e+00 : f32
    %neg3A_5 = vector.broadcast %neg3A_4 : f32 to vector<16xf32>
    %neg3A_6 = arith.subf %neg3A_5, %exp3A : vector<16xf32>
    %swap3A = arith.constant 0 : index
    %swap3A_7 = tpu.vector_load %arg8[%swap3A] {strides = array<i32>} : memref<16xf32, #tpu.memory_space<vmem>>, vector<16xf32>,
    tpu.vector_store %arg8[%swap3A], %neg3A_6 {strides = array<i32>} : memref<16xf32, #tpu.memory_space<vmem>>, vector<16xf32>,
    %mul3A_8 = arith.constant 76800 : i32
    %mul3A_9 = arith.muli %add3A, %mul3A_8 : i32
    %add3A_10 = arith.constant 0 : i32
    %add3A_11 = arith.addi %mul3A_9, %add3A_10 : i32
    %dma_start3A = tpu.memref_slice %arg2[%add3A_11] : memref<3276800xf32, #tpu.memory_space<hbm>> -> memref<7680xf32, #tpu.memory_space<hbm>>
    %dma_start3A_12 = tpu.memref_slice %arg2[%add3A_11] : memref<3276800xf32, #tpu.memory_space<hbm>> -> memref<7680xf32, #tpu.memory_space<hbm>>
    tpu.enqueue_dma source(%dma_start3A_12 : memref<7680xf32, #tpu.memory_space<hbm>>) target(%arg9 : memref<7680xf32, #tpu.memory_space<vmem>>) target_semaphore(%arg17 : memref<!tpu.dma_semaphore, #tpu.memory_space<semaphore_mem>>)
    %dma_start3A_13 = tpu.memref_slice %arg3[%add3A_11] : memref<3276800xf32, #tpu.memory_space<hbm>> -> memref<7680xf32, #tpu.memory_space<hbm>>
    %dma_start3A_14 = tpu.memref_slice %arg3[%add3A_11] : memref<3276800xf32, #tpu.memory_space<hbm>> -> memref<7680xf32, #tpu.memory_space<hbm>>
    tpu.enqueue_dma source(%dma_start3A_14 : memref<7680xf32, #tpu.memory_space<hbm>>) target(%arg11 : memref<7680xf32, #tpu.memory_space<vmem>>) target_semaphore(%arg17 : memref<!tpu.dma_semaphore, #tpu.memory_space<semaphore_mem>>)
    %dma_start3A_15 = tpu.memref_slice %arg4[%add3A_11] : memref<3276800xi32, #tpu.memory_space<hbm>> -> memref<7680xi32, #tpu.memory_space<hbm>>
    %dma_start3A_16 = tpu.memref_slice %arg4[%add3A_11] : memref<3276800xi32, #tpu.memory_space<hbm>> -> memref<7680xi32, #tpu.memory_space<hbm>>
    tpu.enqueue_dma source(%dma_start3A_16 : memref<7680xi32, #tpu.memory_space<hbm>>) target(%arg13 : memref<7680xi32, #tpu.memory_space<vmem>>) target_semaphore(%arg17 : memref<!tpu.dma_semaphore, #tpu.memory_space<semaphore_mem>>)
    %add3A_17 = arith.constant 7680 : i32
    %add3A_18 = arith.addi %mul3A_9, %add3A_17 : i32
    %dma_start3A_19 = tpu.memref_slice %arg2[%add3A_18] : memref<3276800xf32, #tpu.memory_space<hbm>> -> memref<7680xf32, #tpu.memory_space<hbm>>
    %dma_start3A_20 = tpu.memref_slice %arg2[%add3A_18] : memref<3276800xf32, #tpu.memory_space<hbm>> -> memref<7680xf32, #tpu.memory_space<hbm>>
    tpu.enqueue_dma source(%dma_start3A_20 : memref<7680xf32, #tpu.memory_space<hbm>>) target(%arg10 : memref<7680xf32, #tpu.memory_space<vmem>>) target_semaphore(%arg18 : memref<!tpu.dma_semaphore, #tpu.memory_space<semaphore_mem>>)
    %dma_start3A_21 = tpu.memref_slice %arg3[%add3A_18] : memref<3276800xf32, #tpu.memory_space<hbm>> -> memref<7680xf32, #tpu.memory_space<hbm>>
    %dma_start3A_22 = tpu.memref_slice %arg3[%add3A_18] : memref<3276800xf32, #tpu.memory_space<hbm>> -> memref<7680xf32, #tpu.memory_space<hbm>>
    tpu.enqueue_dma source(%dma_start3A_22 : memref<7680xf32, #tpu.memory_space<hbm>>) target(%arg12 : memref<7680xf32, #tpu.memory_space<vmem>>) target_semaphore(%arg18 : memref<!tpu.dma_semaphore, #tpu.memory_space<semaphore_mem>>)
    %dma_start3A_23 = tpu.memref_slice %arg4[%add3A_18] : memref<3276800xi32, #tpu.memory_space<hbm>> -> memref<7680xi32, #tpu.memory_space<hbm>>
    %dma_start3A_24 = tpu.memref_slice %arg4[%add3A_18] : memref<3276800xi32, #tpu.memory_space<hbm>> -> memref<7680xi32, #tpu.memory_space<hbm>>
    tpu.enqueue_dma source(%dma_start3A_24 : memref<7680xi32, #tpu.memory_space<hbm>>) target(%arg14 : memref<7680xi32, #tpu.memory_space<vmem>>) target_semaphore(%arg18 : memref<!tpu.dma_semaphore, #tpu.memory_space<semaphore_mem>>)
    %scan3A = arith.constant 0 : i32
    %scan3A_25 = arith.constant 0 : i32
    %scan3A_26 = arith.constant 5 : i32
    %scan3A_27 = arith.addi %scan3A_25, %scan3A_26 : i32
    %scan3A_28 = arith.constant 1 : i32
    scf.for %scan3A_37 = %scan3A_25 to %scan3A_27 step %scan3A_28  : i32 {
      %mul3A_38 = arith.constant 2 : i32
      %mul3A_39 = arith.muli %scan3A_37, %mul3A_38 : i32
      %mul3A_40 = arith.constant 7680 : i32
      %mul3A_41 = arith.muli %mul3A_39, %mul3A_40 : i32
      %add3A_42 = arith.addi %mul3A_9, %mul3A_41 : i32
      %dma_wait3A_43 = tpu.memref_slice %arg2[%add3A_42] : memref<3276800xf32, #tpu.memory_space<hbm>> -> memref<7680xf32, #tpu.memory_space<hbm>>
      %dma_wait3A_44 = tpu.memref_slice %arg2[%add3A_42] : memref<3276800xf32, #tpu.memory_space<hbm>> -> memref<7680xf32, #tpu.memory_space<hbm>>
      tpu.wait_dma2 semaphore(%arg17 : memref<!tpu.dma_semaphore, #tpu.memory_space<semaphore_mem>>) src(%dma_wait3A_44 : memref<7680xf32, #tpu.memory_space<hbm>>) dst(%arg9 : memref<7680xf32, #tpu.memory_space<vmem>>)
      %dma_wait3A_45 = tpu.memref_slice %arg3[%add3A_42] : memref<3276800xf32, #tpu.memory_space<hbm>> -> memref<7680xf32, #tpu.memory_space<hbm>>
      %dma_wait3A_46 = tpu.memref_slice %arg3[%add3A_42] : memref<3276800xf32, #tpu.memory_space<hbm>> -> memref<7680xf32, #tpu.memory_space<hbm>>
      tpu.wait_dma2 semaphore(%arg17 : memref<!tpu.dma_semaphore, #tpu.memory_space<semaphore_mem>>) src(%dma_wait3A_46 : memref<7680xf32, #tpu.memory_space<hbm>>) dst(%arg11 : memref<7680xf32, #tpu.memory_space<vmem>>)
      %dma_wait3A_47 = tpu.memref_slice %arg4[%add3A_42] : memref<3276800xi32, #tpu.memory_space<hbm>> -> memref<7680xi32, #tpu.memory_space<hbm>>
      %dma_wait3A_48 = tpu.memref_slice %arg4[%add3A_42] : memref<3276800xi32, #tpu.memory_space<hbm>> -> memref<7680xi32, #tpu.memory_space<hbm>>
      tpu.wait_dma2 semaphore(%arg17 : memref<!tpu.dma_semaphore, #tpu.memory_space<semaphore_mem>>) src(%dma_wait3A_48 : memref<7680xi32, #tpu.memory_space<hbm>>) dst(%arg13 : memref<7680xi32, #tpu.memory_space<vmem>>)
      %gt3A = arith.constant 0 : i32
      %gt3A_49 = arith.cmpi sgt, %scan3A_37, %gt3A : i32
      %convert_element_type3A = arith.extui %gt3A_49 : i1 to i32
      %cond3A = arith.constant 0 : i32
      %cond3A_50 = arith.cmpi ne, %convert_element_type3A, %cond3A : i32
      scf.if %cond3A_50 {
        %sub3A = arith.constant 2 : i32
        %sub3A_95 = arith.subi %mul3A_39, %sub3A : i32
        %mul3A_96 = arith.constant 7680 : i32
        %mul3A_97 = arith.muli %sub3A_95, %mul3A_96 : i32
        %add3A_98 = arith.addi %mul3A_9, %mul3A_97 : i32
        %dma_wait3A_99 = tpu.memref_slice %arg6[%add3A_98] : memref<3276800xf32, #tpu.memory_space<hbm>> -> memref<7680xf32, #tpu.memory_space<hbm>>
        %dma_wait3A_100 = tpu.memref_slice %arg6[%add3A_98] : memref<3276800xf32, #tpu.memory_space<hbm>> -> memref<7680xf32, #tpu.memory_space<hbm>>
        tpu.wait_dma2 semaphore(%arg19 : memref<!tpu.dma_semaphore, #tpu.memory_space<semaphore_mem>>) src(%arg15 : memref<7680xf32, #tpu.memory_space<vmem>>) dst(%dma_wait3A_100 : memref<7680xf32, #tpu.memory_space<hbm>>)
      } else {
      }
      %parallel_loop3A = arith.constant 0 : i32
      %parallel_loop3A_51 = arith.constant 7680 : i32
      %parallel_loop3A_52 = arith.constant 16 : i32
      scf.for %parallel_loop3A_95 = %parallel_loop3A to %parallel_loop3A_51 step %parallel_loop3A_52  : i32 {
        %parallel_loop3A_96 = tpu.assume_multiple %parallel_loop3A_95, 16 : i32
        %parallel_loop3A_97 = arith.index_cast %parallel_loop3A_96 : i32 to index
        %parallel_loop3A_98 = tpu.vector_load %arg13[%parallel_loop3A_97] {strides = array<i32>} : memref<7680xi32, #tpu.memory_space<vmem>>, vector<16xi32>,
        %parallel_loop3A_99 = tpu.vector_load_idx %arg8[%parallel_loop3A_98] : memref<16xf32, #tpu.memory_space<vmem>>[vector<16xi32>], vector<16xf32>,
        %parallel_loop3A_100 = arith.index_cast %parallel_loop3A_96 : i32 to index
        %parallel_loop3A_101 = tpu.vector_load %arg11[%parallel_loop3A_100] {strides = array<i32>} : memref<7680xf32, #tpu.memory_space<vmem>>, vector<16xf32>,
        %parallel_loop3A_102 = arith.constant 5.12989855 : f32
        %parallel_loop3A_103 = vector.broadcast %parallel_loop3A_102 : f32 to vector<16xf32>
        %parallel_loop3A_104 = arith.mulf %parallel_loop3A_101, %parallel_loop3A_103 : vector<16xf32>
        %parallel_loop3A_105 = math.exp %parallel_loop3A_104 : vector<16xf32>
        %parallel_loop3A_106 = arith.constant 1.000000e+00 : f32
        %parallel_loop3A_107 = vector.broadcast %parallel_loop3A_106 : f32 to vector<16xf32>
        %parallel_loop3A_108 = arith.subf %parallel_loop3A_105, %parallel_loop3A_107 : vector<16xf32>
        %parallel_loop3A_109 = arith.mulf %parallel_loop3A_108, %parallel_loop3A_99 : vector<16xf32>
        %parallel_loop3A_110 = math.exp %parallel_loop3A_109 : vector<16xf32>
        %parallel_loop3A_111 = arith.index_cast %parallel_loop3A_96 : i32 to index
        %parallel_loop3A_112 = tpu.vector_load %arg9[%parallel_loop3A_111] {strides = array<i32>} : memref<7680xf32, #tpu.memory_space<vmem>>, vector<16xf32>,
        %parallel_loop3A_113 = arith.constant 1.000000e+00 : f32
        %parallel_loop3A_114 = vector.broadcast %parallel_loop3A_113 : f32 to vector<16xf32>
        %parallel_loop3A_115 = arith.subf %parallel_loop3A_114, %parallel_loop3A_112 : vector<16xf32>
        %parallel_loop3A_116 = arith.mulf %parallel_loop3A_115, %parallel_loop3A_110 : vector<16xf32>
        %parallel_loop3A_117 = arith.constant 1.000000e+00 : f32
        %parallel_loop3A_118 = vector.broadcast %parallel_loop3A_117 : f32 to vector<16xf32>
        %parallel_loop3A_119 = arith.subf %parallel_loop3A_118, %parallel_loop3A_116 : vector<16xf32>
        %parallel_loop3A_120 = arith.index_cast %parallel_loop3A_96 : i32 to index
        %parallel_loop3A_121 = tpu.vector_load %arg15[%parallel_loop3A_120] {strides = array<i32>} : memref<7680xf32, #tpu.memory_space<vmem>>, vector<16xf32>,
        tpu.vector_store %arg15[%parallel_loop3A_120], %parallel_loop3A_119 {strides = array<i32>} : memref<7680xf32, #tpu.memory_space<vmem>>, vector<16xf32>,
      } {sc.loop_unroll_factor = 4 : i64, sc.parallel_access}
      %mul3A_53 = arith.constant 7680 : i32
      %mul3A_54 = arith.muli %mul3A_39, %mul3A_53 : i32
      %add3A_55 = arith.addi %mul3A_9, %mul3A_54 : i32
      %dma_start3A_56 = tpu.memref_slice %arg6[%add3A_55] : memref<3276800xf32, #tpu.memory_space<hbm>> -> memref<7680xf32, #tpu.memory_space<hbm>>
      %dma_start3A_57 = tpu.memref_slice %arg6[%add3A_55] : memref<3276800xf32, #tpu.memory_space<hbm>> -> memref<7680xf32, #tpu.memory_space<hbm>>
      tpu.enqueue_dma source(%arg15 : memref<7680xf32, #tpu.memory_space<vmem>>) target(%dma_start3A_57 : memref<7680xf32, #tpu.memory_space<hbm>>) target_semaphore(%arg19 : memref<!tpu.dma_semaphore, #tpu.memory_space<semaphore_mem>>)
      %add3A_58 = arith.constant 1 : i32
      %add3A_59 = arith.addi %scan3A_37, %add3A_58 : i32
      %lt3A = arith.constant 5 : i32
      %lt3A_60 = arith.cmpi slt, %add3A_59, %lt3A : i32
      %convert_element_type3A_61 = arith.extui %lt3A_60 : i1 to i32
      %cond3A_62 = arith.constant 0 : i32
      %cond3A_63 = arith.cmpi ne, %convert_element_type3A_61, %cond3A_62 : i32
      scf.if %cond3A_63 {
        %add3A_95 = arith.constant 2 : i32
        %add3A_96 = arith.addi %mul3A_39, %add3A_95 : i32
        %mul3A_97 = arith.constant 7680 : i32
        %mul3A_98 = arith.muli %add3A_96, %mul3A_97 : i32
        %add3A_99 = arith.addi %mul3A_9, %mul3A_98 : i32
        %dma_start3A_100 = tpu.memref_slice %arg2[%add3A_99] : memref<3276800xf32, #tpu.memory_space<hbm>> -> memref<7680xf32, #tpu.memory_space<hbm>>
        %dma_start3A_101 = tpu.memref_slice %arg2[%add3A_99] : memref<3276800xf32, #tpu.memory_space<hbm>> -> memref<7680xf32, #tpu.memory_space<hbm>>
        tpu.enqueue_dma source(%dma_start3A_101 : memref<7680xf32, #tpu.memory_space<hbm>>) target(%arg9 : memref<7680xf32, #tpu.memory_space<vmem>>) target_semaphore(%arg17 : memref<!tpu.dma_semaphore, #tpu.memory_space<semaphore_mem>>)
        %dma_start3A_102 = tpu.memref_slice %arg3[%add3A_99] : memref<3276800xf32, #tpu.memory_space<hbm>> -> memref<7680xf32, #tpu.memory_space<hbm>>
        %dma_start3A_103 = tpu.memref_slice %arg3[%add3A_99] : memref<3276800xf32, #tpu.memory_space<hbm>> -> memref<7680xf32, #tpu.memory_space<hbm>>
        tpu.enqueue_dma source(%dma_start3A_103 : memref<7680xf32, #tpu.memory_space<hbm>>) target(%arg11 : memref<7680xf32, #tpu.memory_space<vmem>>) target_semaphore(%arg17 : memref<!tpu.dma_semaphore, #tpu.memory_space<semaphore_mem>>)
        %dma_start3A_104 = tpu.memref_slice %arg4[%add3A_99] : memref<3276800xi32, #tpu.memory_space<hbm>> -> memref<7680xi32, #tpu.memory_space<hbm>>
        %dma_start3A_105 = tpu.memref_slice %arg4[%add3A_99] : memref<3276800xi32, #tpu.memory_space<hbm>> -> memref<7680xi32, #tpu.memory_space<hbm>>
        tpu.enqueue_dma source(%dma_start3A_105 : memref<7680xi32, #tpu.memory_space<hbm>>) target(%arg13 : memref<7680xi32, #tpu.memory_space<vmem>>) target_semaphore(%arg17 : memref<!tpu.dma_semaphore, #tpu.memory_space<semaphore_mem>>)
      } else {
      }
      %add3A_64 = arith.constant 1 : i32
      %add3A_65 = arith.addi %mul3A_39, %add3A_64 : i32
      %mul3A_66 = arith.constant 7680 : i32
      %mul3A_67 = arith.muli %add3A_65, %mul3A_66 : i32
      %add3A_68 = arith.addi %mul3A_9, %mul3A_67 : i32
      %dma_wait3A_69 = tpu.memref_slice %arg2[%add3A_68] : memref<3276800xf32, #tpu.memory_space<hbm>> -> memref<7680xf32, #tpu.memory_space<hbm>>
      %dma_wait3A_70 = tpu.memref_slice %arg2[%add3A_68] : memref<3276800xf32, #tpu.memory_space<hbm>> -> memref<7680xf32, #tpu.memory_space<hbm>>
      tpu.wait_dma2 semaphore(%arg18 : memref<!tpu.dma_semaphore, #tpu.memory_space<semaphore_mem>>) src(%dma_wait3A_70 : memref<7680xf32, #tpu.memory_space<hbm>>) dst(%arg10 : memref<7680xf32, #tpu.memory_space<vmem>>)
      %dma_wait3A_71 = tpu.memref_slice %arg3[%add3A_68] : memref<3276800xf32, #tpu.memory_space<hbm>> -> memref<7680xf32, #tpu.memory_space<hbm>>
      %dma_wait3A_72 = tpu.memref_slice %arg3[%add3A_68] : memref<3276800xf32, #tpu.memory_space<hbm>> -> memref<7680xf32, #tpu.memory_space<hbm>>
      tpu.wait_dma2 semaphore(%arg18 : memref<!tpu.dma_semaphore, #tpu.memory_space<semaphore_mem>>) src(%dma_wait3A_72 : memref<7680xf32, #tpu.memory_space<hbm>>) dst(%arg12 : memref<7680xf32, #tpu.memory_space<vmem>>)
      %dma_wait3A_73 = tpu.memref_slice %arg4[%add3A_68] : memref<3276800xi32, #tpu.memory_space<hbm>> -> memref<7680xi32, #tpu.memory_space<hbm>>
      %dma_wait3A_74 = tpu.memref_slice %arg4[%add3A_68] : memref<3276800xi32, #tpu.memory_space<hbm>> -> memref<7680xi32, #tpu.memory_space<hbm>>
      tpu.wait_dma2 semaphore(%arg18 : memref<!tpu.dma_semaphore, #tpu.memory_space<semaphore_mem>>) src(%dma_wait3A_74 : memref<7680xi32, #tpu.memory_space<hbm>>) dst(%arg14 : memref<7680xi32, #tpu.memory_space<vmem>>)
      %gt3A_75 = arith.constant 0 : i32
      %gt3A_76 = arith.cmpi sgt, %scan3A_37, %gt3A_75 : i32
      %convert_element_type3A_77 = arith.extui %gt3A_76 : i1 to i32
      %cond3A_78 = arith.constant 0 : i32
      %cond3A_79 = arith.cmpi ne, %convert_element_type3A_77, %cond3A_78 : i32
      scf.if %cond3A_79 {
        %sub3A = arith.constant 2 : i32
        %sub3A_95 = arith.subi %add3A_65, %sub3A : i32
        %mul3A_96 = arith.constant 7680 : i32
        %mul3A_97 = arith.muli %sub3A_95, %mul3A_96 : i32
        %add3A_98 = arith.addi %mul3A_9, %mul3A_97 : i32
        %dma_wait3A_99 = tpu.memref_slice %arg6[%add3A_98] : memref<3276800xf32, #tpu.memory_space<hbm>> -> memref<7680xf32, #tpu.memory_space<hbm>>
        %dma_wait3A_100 = tpu.memref_slice %arg6[%add3A_98] : memref<3276800xf32, #tpu.memory_space<hbm>> -> memref<7680xf32, #tpu.memory_space<hbm>>
        tpu.wait_dma2 semaphore(%arg20 : memref<!tpu.dma_semaphore, #tpu.memory_space<semaphore_mem>>) src(%arg16 : memref<7680xf32, #tpu.memory_space<vmem>>) dst(%dma_wait3A_100 : memref<7680xf32, #tpu.memory_space<hbm>>)
      } else {
      }
      %parallel_loop3A_80 = arith.constant 0 : i32
      %parallel_loop3A_81 = arith.constant 7680 : i32
      %parallel_loop3A_82 = arith.constant 16 : i32
      scf.for %parallel_loop3A_95 = %parallel_loop3A_80 to %parallel_loop3A_81 step %parallel_loop3A_82  : i32 {
        %parallel_loop3A_96 = tpu.assume_multiple %parallel_loop3A_95, 16 : i32
        %parallel_loop3A_97 = arith.index_cast %parallel_loop3A_96 : i32 to index
        %parallel_loop3A_98 = tpu.vector_load %arg14[%parallel_loop3A_97] {strides = array<i32>} : memref<7680xi32, #tpu.memory_space<vmem>>, vector<16xi32>,
        %parallel_loop3A_99 = tpu.vector_load_idx %arg8[%parallel_loop3A_98] : memref<16xf32, #tpu.memory_space<vmem>>[vector<16xi32>], vector<16xf32>,
        %parallel_loop3A_100 = arith.index_cast %parallel_loop3A_96 : i32 to index
        %parallel_loop3A_101 = tpu.vector_load %arg12[%parallel_loop3A_100] {strides = array<i32>} : memref<7680xf32, #tpu.memory_space<vmem>>, vector<16xf32>,
        %parallel_loop3A_102 = arith.constant 5.12989855 : f32
        %parallel_loop3A_103 = vector.broadcast %parallel_loop3A_102 : f32 to vector<16xf32>
        %parallel_loop3A_104 = arith.mulf %parallel_loop3A_101, %parallel_loop3A_103 : vector<16xf32>
        %parallel_loop3A_105 = math.exp %parallel_loop3A_104 : vector<16xf32>
        %parallel_loop3A_106 = arith.constant 1.000000e+00 : f32
        %parallel_loop3A_107 = vector.broadcast %parallel_loop3A_106 : f32 to vector<16xf32>
        %parallel_loop3A_108 = arith.subf %parallel_loop3A_105, %parallel_loop3A_107 : vector<16xf32>
        %parallel_loop3A_109 = arith.mulf %parallel_loop3A_108, %parallel_loop3A_99 : vector<16xf32>
        %parallel_loop3A_110 = math.exp %parallel_loop3A_109 : vector<16xf32>
        %parallel_loop3A_111 = arith.index_cast %parallel_loop3A_96 : i32 to index
        %parallel_loop3A_112 = tpu.vector_load %arg10[%parallel_loop3A_111] {strides = array<i32>} : memref<7680xf32, #tpu.memory_space<vmem>>, vector<16xf32>,
        %parallel_loop3A_113 = arith.constant 1.000000e+00 : f32
        %parallel_loop3A_114 = vector.broadcast %parallel_loop3A_113 : f32 to vector<16xf32>
        %parallel_loop3A_115 = arith.subf %parallel_loop3A_114, %parallel_loop3A_112 : vector<16xf32>
        %parallel_loop3A_116 = arith.mulf %parallel_loop3A_115, %parallel_loop3A_110 : vector<16xf32>
        %parallel_loop3A_117 = arith.constant 1.000000e+00 : f32
        %parallel_loop3A_118 = vector.broadcast %parallel_loop3A_117 : f32 to vector<16xf32>
        %parallel_loop3A_119 = arith.subf %parallel_loop3A_118, %parallel_loop3A_116 : vector<16xf32>
        %parallel_loop3A_120 = arith.index_cast %parallel_loop3A_96 : i32 to index
        %parallel_loop3A_121 = tpu.vector_load %arg16[%parallel_loop3A_120] {strides = array<i32>} : memref<7680xf32, #tpu.memory_space<vmem>>, vector<16xf32>,
        tpu.vector_store %arg16[%parallel_loop3A_120], %parallel_loop3A_119 {strides = array<i32>} : memref<7680xf32, #tpu.memory_space<vmem>>, vector<16xf32>,
      } {sc.loop_unroll_factor = 4 : i64, sc.parallel_access}
      %mul3A_83 = arith.constant 7680 : i32
      %mul3A_84 = arith.muli %add3A_65, %mul3A_83 : i32
      %add3A_85 = arith.addi %mul3A_9, %mul3A_84 : i32
      %dma_start3A_86 = tpu.memref_slice %arg6[%add3A_85] : memref<3276800xf32, #tpu.memory_space<hbm>> -> memref<7680xf32, #tpu.memory_space<hbm>>
      %dma_start3A_87 = tpu.memref_slice %arg6[%add3A_85] : memref<3276800xf32, #tpu.memory_space<hbm>> -> memref<7680xf32, #tpu.memory_space<hbm>>
      tpu.enqueue_dma source(%arg16 : memref<7680xf32, #tpu.memory_space<vmem>>) target(%dma_start3A_87 : memref<7680xf32, #tpu.memory_space<hbm>>) target_semaphore(%arg20 : memref<!tpu.dma_semaphore, #tpu.memory_space<semaphore_mem>>)
      %add3A_88 = arith.constant 1 : i32
      %add3A_89 = arith.addi %scan3A_37, %add3A_88 : i32
      %lt3A_90 = arith.constant 5 : i32
      %lt3A_91 = arith.cmpi slt, %add3A_89, %lt3A_90 : i32
      %convert_element_type3A_92 = arith.extui %lt3A_91 : i1 to i32
      %cond3A_93 = arith.constant 0 : i32
      %cond3A_94 = arith.cmpi ne, %convert_element_type3A_92, %cond3A_93 : i32
      scf.if %cond3A_94 {
        %add3A_95 = arith.constant 2 : i32
        %add3A_96 = arith.addi %add3A_65, %add3A_95 : i32
        %mul3A_97 = arith.constant 7680 : i32
        %mul3A_98 = arith.muli %add3A_96, %mul3A_97 : i32
        %add3A_99 = arith.addi %mul3A_9, %mul3A_98 : i32
        %dma_start3A_100 = tpu.memref_slice %arg2[%add3A_99] : memref<3276800xf32, #tpu.memory_space<hbm>> -> memref<7680xf32, #tpu.memory_space<hbm>>
        %dma_start3A_101 = tpu.memref_slice %arg2[%add3A_99] : memref<3276800xf32, #tpu.memory_space<hbm>> -> memref<7680xf32, #tpu.memory_space<hbm>>
        tpu.enqueue_dma source(%dma_start3A_101 : memref<7680xf32, #tpu.memory_space<hbm>>) target(%arg10 : memref<7680xf32, #tpu.memory_space<vmem>>) target_semaphore(%arg18 : memref<!tpu.dma_semaphore, #tpu.memory_space<semaphore_mem>>)
        %dma_start3A_102 = tpu.memref_slice %arg3[%add3A_99] : memref<3276800xf32, #tpu.memory_space<hbm>> -> memref<7680xf32, #tpu.memory_space<hbm>>
        %dma_start3A_103 = tpu.memref_slice %arg3[%add3A_99] : memref<3276800xf32, #tpu.memory_space<hbm>> -> memref<7680xf32, #tpu.memory_space<hbm>>
        tpu.enqueue_dma source(%dma_start3A_103 : memref<7680xf32, #tpu.memory_space<hbm>>) target(%arg12 : memref<7680xf32, #tpu.memory_space<vmem>>) target_semaphore(%arg18 : memref<!tpu.dma_semaphore, #tpu.memory_space<semaphore_mem>>)
        %dma_start3A_104 = tpu.memref_slice %arg4[%add3A_99] : memref<3276800xi32, #tpu.memory_space<hbm>> -> memref<7680xi32, #tpu.memory_space<hbm>>
        %dma_start3A_105 = tpu.memref_slice %arg4[%add3A_99] : memref<3276800xi32, #tpu.memory_space<hbm>> -> memref<7680xi32, #tpu.memory_space<hbm>>
        tpu.enqueue_dma source(%dma_start3A_105 : memref<7680xi32, #tpu.memory_space<hbm>>) target(%arg14 : memref<7680xi32, #tpu.memory_space<vmem>>) target_semaphore(%arg18 : memref<!tpu.dma_semaphore, #tpu.memory_space<semaphore_mem>>)
      } else {
      }
    }
    %scan3A_29 = arith.constant 5 : i32
    %add3A_30 = arith.constant 61440 : i32
    %add3A_31 = arith.addi %mul3A_9, %add3A_30 : i32
    %dma_wait3A = tpu.memref_slice %arg6[%add3A_31] : memref<3276800xf32, #tpu.memory_space<hbm>> -> memref<7680xf32, #tpu.memory_space<hbm>>
    %dma_wait3A_32 = tpu.memref_slice %arg6[%add3A_31] : memref<3276800xf32, #tpu.memory_space<hbm>> -> memref<7680xf32, #tpu.memory_space<hbm>>
    tpu.wait_dma2 semaphore(%arg19 : memref<!tpu.dma_semaphore, #tpu.memory_space<semaphore_mem>>) src(%arg15 : memref<7680xf32, #tpu.memory_space<vmem>>) dst(%dma_wait3A_32 : memref<7680xf32, #tpu.memory_space<hbm>>)
    %add3A_33 = arith.constant 69120 : i32
    %add3A_34 = arith.addi %mul3A_9, %add3A_33 : i32
    %dma_wait3A_35 = tpu.memref_slice %arg6[%add3A_34] : memref<3276800xf32, #tpu.memory_space<hbm>> -> memref<7680xf32, #tpu.memory_space<hbm>>
    %dma_wait3A_36 = tpu.memref_slice %arg6[%add3A_34] : memref<3276800xf32, #tpu.memory_space<hbm>> -> memref<7680xf32, #tpu.memory_space<hbm>>
    tpu.wait_dma2 semaphore(%arg20 : memref<!tpu.dma_semaphore, #tpu.memory_space<semaphore_mem>>) src(%arg16 : memref<7680xf32, #tpu.memory_space<vmem>>) dst(%dma_wait3A_36 : memref<7680xf32, #tpu.memory_space<hbm>>)
    return
  }
}

module attributes {stable_mosaic.version = 14 : i64} {
  func.func @_tc_body(%arg0: i32, %arg1: memref<15xf32, #tpu.memory_space<smem>>, %arg2: memref<32768xf32, #tpu.memory_space<vmem>>, %arg3: memref<32768xf32, #tpu.memory_space<vmem>>, %arg4: memref<32768xi32, #tpu.memory_space<vmem>>, %arg5: memref<32768xf32, #tpu.memory_space<vmem>>) attributes {dimension_semantics = [#tpu.dimension_semantics<arbitrary>], iteration_bounds = array<i64: 25>, scalar_prefetch = 0 : i64, scratch_operands = 0 : i64, tpu.core_type = #tpu.core_type<tc>, window_params = [{transform_indices = @transform_0, window_bounds = array<i64: 15>}, {transform_indices = @transform_1, window_bounds = array<i64: 32768>}, {transform_indices = @transform_2, window_bounds = array<i64: 32768>}, {transform_indices = @transform_3, window_bounds = array<i64: 32768>}, {transform_indices = @transform_4, window_bounds = array<i64: 32768>}]} {
    %get3A = arith.constant 0 : index
    %get3A_0 = vector.load %arg2[%get3A] : memref<32768xf32, #tpu.memory_space<vmem>>, vector<32768xf32>
    %get3A_1 = arith.constant 0 : index
    %get3A_2 = vector.load %arg3[%get3A_1] : memref<32768xf32, #tpu.memory_space<vmem>>, vector<32768xf32>
    %get3A_3 = arith.constant 0 : index
    %get3A_4 = vector.load %arg4[%get3A_3] : memref<32768xi32, #tpu.memory_space<vmem>>, vector<32768xi32>
    %get3A_5 = arith.constant 0 : index
    %get3A_6 = memref.load %arg1[%get3A_5] : memref<15xf32, #tpu.memory_space<smem>>
    %broadcast_in_dim3A = vector.broadcast %get3A_6 : f32 to vector<32768xf32>
    %eq3A = arith.constant 1 : i32
    %eq3A_7 = vector.broadcast %eq3A : i32 to vector<32768xi32>
    %eq3A_8 = arith.cmpi eq, %get3A_4, %eq3A_7 : vector<32768xi32>
    %get3A_9 = arith.constant 1 : index
    %get3A_10 = memref.load %arg1[%get3A_9] : memref<15xf32, #tpu.memory_space<smem>>
    %broadcast_in_dim3A_11 = vector.broadcast %get3A_10 : f32 to vector<32768xf32>
    %select_n3A = arith.select %eq3A_8, %broadcast_in_dim3A_11, %broadcast_in_dim3A : vector<32768xi1>, vector<32768xf32>
    %eq3A_12 = arith.constant 2 : i32
    %eq3A_13 = vector.broadcast %eq3A_12 : i32 to vector<32768xi32>
    %eq3A_14 = arith.cmpi eq, %get3A_4, %eq3A_13 : vector<32768xi32>
    %get3A_15 = arith.constant 2 : index
    %get3A_16 = memref.load %arg1[%get3A_15] : memref<15xf32, #tpu.memory_space<smem>>
    %broadcast_in_dim3A_17 = vector.broadcast %get3A_16 : f32 to vector<32768xf32>
    %select_n3A_18 = arith.select %eq3A_14, %broadcast_in_dim3A_17, %select_n3A : vector<32768xi1>, vector<32768xf32>
    %eq3A_19 = arith.constant 3 : i32
    %eq3A_20 = vector.broadcast %eq3A_19 : i32 to vector<32768xi32>
    %eq3A_21 = arith.cmpi eq, %get3A_4, %eq3A_20 : vector<32768xi32>
    %get3A_22 = arith.constant 3 : index
    %get3A_23 = memref.load %arg1[%get3A_22] : memref<15xf32, #tpu.memory_space<smem>>
    %broadcast_in_dim3A_24 = vector.broadcast %get3A_23 : f32 to vector<32768xf32>
    %select_n3A_25 = arith.select %eq3A_21, %broadcast_in_dim3A_24, %select_n3A_18 : vector<32768xi1>, vector<32768xf32>
    %eq3A_26 = arith.constant 4 : i32
    %eq3A_27 = vector.broadcast %eq3A_26 : i32 to vector<32768xi32>
    %eq3A_28 = arith.cmpi eq, %get3A_4, %eq3A_27 : vector<32768xi32>
    %get3A_29 = arith.constant 4 : index
    %get3A_30 = memref.load %arg1[%get3A_29] : memref<15xf32, #tpu.memory_space<smem>>
    %broadcast_in_dim3A_31 = vector.broadcast %get3A_30 : f32 to vector<32768xf32>
    %select_n3A_32 = arith.select %eq3A_28, %broadcast_in_dim3A_31, %select_n3A_25 : vector<32768xi1>, vector<32768xf32>
    %eq3A_33 = arith.constant 5 : i32
    %eq3A_34 = vector.broadcast %eq3A_33 : i32 to vector<32768xi32>
    %eq3A_35 = arith.cmpi eq, %get3A_4, %eq3A_34 : vector<32768xi32>
    %get3A_36 = arith.constant 5 : index
    %get3A_37 = memref.load %arg1[%get3A_36] : memref<15xf32, #tpu.memory_space<smem>>
    %broadcast_in_dim3A_38 = vector.broadcast %get3A_37 : f32 to vector<32768xf32>
    %select_n3A_39 = arith.select %eq3A_35, %broadcast_in_dim3A_38, %select_n3A_32 : vector<32768xi1>, vector<32768xf32>
    %eq3A_40 = arith.constant 6 : i32
    %eq3A_41 = vector.broadcast %eq3A_40 : i32 to vector<32768xi32>
    %eq3A_42 = arith.cmpi eq, %get3A_4, %eq3A_41 : vector<32768xi32>
    %get3A_43 = arith.constant 6 : index
    %get3A_44 = memref.load %arg1[%get3A_43] : memref<15xf32, #tpu.memory_space<smem>>
    %broadcast_in_dim3A_45 = vector.broadcast %get3A_44 : f32 to vector<32768xf32>
    %select_n3A_46 = arith.select %eq3A_42, %broadcast_in_dim3A_45, %select_n3A_39 : vector<32768xi1>, vector<32768xf32>
    %eq3A_47 = arith.constant 7 : i32
    %eq3A_48 = vector.broadcast %eq3A_47 : i32 to vector<32768xi32>
    %eq3A_49 = arith.cmpi eq, %get3A_4, %eq3A_48 : vector<32768xi32>
    %get3A_50 = arith.constant 7 : index
    %get3A_51 = memref.load %arg1[%get3A_50] : memref<15xf32, #tpu.memory_space<smem>>
    %broadcast_in_dim3A_52 = vector.broadcast %get3A_51 : f32 to vector<32768xf32>
    %select_n3A_53 = arith.select %eq3A_49, %broadcast_in_dim3A_52, %select_n3A_46 : vector<32768xi1>, vector<32768xf32>
    %eq3A_54 = arith.constant 8 : i32
    %eq3A_55 = vector.broadcast %eq3A_54 : i32 to vector<32768xi32>
    %eq3A_56 = arith.cmpi eq, %get3A_4, %eq3A_55 : vector<32768xi32>
    %get3A_57 = arith.constant 8 : index
    %get3A_58 = memref.load %arg1[%get3A_57] : memref<15xf32, #tpu.memory_space<smem>>
    %broadcast_in_dim3A_59 = vector.broadcast %get3A_58 : f32 to vector<32768xf32>
    %select_n3A_60 = arith.select %eq3A_56, %broadcast_in_dim3A_59, %select_n3A_53 : vector<32768xi1>, vector<32768xf32>
    %eq3A_61 = arith.constant 9 : i32
    %eq3A_62 = vector.broadcast %eq3A_61 : i32 to vector<32768xi32>
    %eq3A_63 = arith.cmpi eq, %get3A_4, %eq3A_62 : vector<32768xi32>
    %get3A_64 = arith.constant 9 : index
    %get3A_65 = memref.load %arg1[%get3A_64] : memref<15xf32, #tpu.memory_space<smem>>
    %broadcast_in_dim3A_66 = vector.broadcast %get3A_65 : f32 to vector<32768xf32>
    %select_n3A_67 = arith.select %eq3A_63, %broadcast_in_dim3A_66, %select_n3A_60 : vector<32768xi1>, vector<32768xf32>
    %eq3A_68 = arith.constant 10 : i32
    %eq3A_69 = vector.broadcast %eq3A_68 : i32 to vector<32768xi32>
    %eq3A_70 = arith.cmpi eq, %get3A_4, %eq3A_69 : vector<32768xi32>
    %get3A_71 = arith.constant 10 : index
    %get3A_72 = memref.load %arg1[%get3A_71] : memref<15xf32, #tpu.memory_space<smem>>
    %broadcast_in_dim3A_73 = vector.broadcast %get3A_72 : f32 to vector<32768xf32>
    %select_n3A_74 = arith.select %eq3A_70, %broadcast_in_dim3A_73, %select_n3A_67 : vector<32768xi1>, vector<32768xf32>
    %eq3A_75 = arith.constant 11 : i32
    %eq3A_76 = vector.broadcast %eq3A_75 : i32 to vector<32768xi32>
    %eq3A_77 = arith.cmpi eq, %get3A_4, %eq3A_76 : vector<32768xi32>
    %get3A_78 = arith.constant 11 : index
    %get3A_79 = memref.load %arg1[%get3A_78] : memref<15xf32, #tpu.memory_space<smem>>
    %broadcast_in_dim3A_80 = vector.broadcast %get3A_79 : f32 to vector<32768xf32>
    %select_n3A_81 = arith.select %eq3A_77, %broadcast_in_dim3A_80, %select_n3A_74 : vector<32768xi1>, vector<32768xf32>
    %eq3A_82 = arith.constant 12 : i32
    %eq3A_83 = vector.broadcast %eq3A_82 : i32 to vector<32768xi32>
    %eq3A_84 = arith.cmpi eq, %get3A_4, %eq3A_83 : vector<32768xi32>
    %get3A_85 = arith.constant 12 : index
    %get3A_86 = memref.load %arg1[%get3A_85] : memref<15xf32, #tpu.memory_space<smem>>
    %broadcast_in_dim3A_87 = vector.broadcast %get3A_86 : f32 to vector<32768xf32>
    %select_n3A_88 = arith.select %eq3A_84, %broadcast_in_dim3A_87, %select_n3A_81 : vector<32768xi1>, vector<32768xf32>
    %eq3A_89 = arith.constant 13 : i32
    %eq3A_90 = vector.broadcast %eq3A_89 : i32 to vector<32768xi32>
    %eq3A_91 = arith.cmpi eq, %get3A_4, %eq3A_90 : vector<32768xi32>
    %get3A_92 = arith.constant 13 : index
    %get3A_93 = memref.load %arg1[%get3A_92] : memref<15xf32, #tpu.memory_space<smem>>
    %broadcast_in_dim3A_94 = vector.broadcast %get3A_93 : f32 to vector<32768xf32>
    %select_n3A_95 = arith.select %eq3A_91, %broadcast_in_dim3A_94, %select_n3A_88 : vector<32768xi1>, vector<32768xf32>
    %eq3A_96 = arith.constant 14 : i32
    %eq3A_97 = vector.broadcast %eq3A_96 : i32 to vector<32768xi32>
    %eq3A_98 = arith.cmpi eq, %get3A_4, %eq3A_97 : vector<32768xi32>
    %get3A_99 = arith.constant 14 : index
    %get3A_100 = memref.load %arg1[%get3A_99] : memref<15xf32, #tpu.memory_space<smem>>
    %broadcast_in_dim3A_101 = vector.broadcast %get3A_100 : f32 to vector<32768xf32>
    %select_n3A_102 = arith.select %eq3A_98, %broadcast_in_dim3A_101, %select_n3A_95 : vector<32768xi1>, vector<32768xf32>
    %mul3A = arith.constant 5.12989855 : f32
    %mul3A_103 = vector.broadcast %mul3A : f32 to vector<32768xf32>
    %mul3A_104 = arith.mulf %get3A_2, %mul3A_103 : vector<32768xf32>
    %exp3A = math.exp %mul3A_104 : vector<32768xf32>
    %sub3A = arith.constant 1.000000e+00 : f32
    %sub3A_105 = vector.broadcast %sub3A : f32 to vector<32768xf32>
    %sub3A_106 = arith.subf %exp3A, %sub3A_105 : vector<32768xf32>
    %sub3A_107 = arith.constant 1.000000e+00 : f32
    %sub3A_108 = vector.broadcast %sub3A_107 : f32 to vector<32768xf32>
    %sub3A_109 = arith.subf %sub3A_108, %get3A_0 : vector<32768xf32>
    %mul3A_110 = arith.mulf %sub3A_106, %select_n3A_102 : vector<32768xf32>
    %exp3A_111 = math.exp %mul3A_110 : vector<32768xf32>
    %mul3A_112 = arith.mulf %sub3A_109, %exp3A_111 : vector<32768xf32>
    %sub3A_113 = arith.constant 1.000000e+00 : f32
    %sub3A_114 = vector.broadcast %sub3A_113 : f32 to vector<32768xf32>
    %sub3A_115 = arith.subf %sub3A_114, %mul3A_112 : vector<32768xf32>
    %swap3A = arith.constant 0 : index
    %swap3A_116 = vector.load %arg5[%swap3A] : memref<32768xf32, #tpu.memory_space<vmem>>, vector<32768xf32>
    tpu.vector_store %arg5[%swap3A], %sub3A_115 {strides = array<i32>} : memref<32768xf32, #tpu.memory_space<vmem>>, vector<32768xf32>,
    return
  }
  func.func @transform_0(%arg0: i32) -> i32 {
    %c0_i32 = arith.constant 0 : i32
    %c0_i32_0 = arith.constant 0 : i32
    return %c0_i32 : i32
  }
  func.func @transform_1(%arg0: i32) -> i32 {
    %add3A = arith.constant 75 : i32
    %add3A_0 = arith.addi %add3A, %arg0 : i32
    %c0_i32 = arith.constant 0 : i32
    return %add3A_0 : i32
  }
  func.func @transform_2(%arg0: i32) -> i32 {
    %add3A = arith.constant 75 : i32
    %add3A_0 = arith.addi %add3A, %arg0 : i32
    %c0_i32 = arith.constant 0 : i32
    return %add3A_0 : i32
  }
  func.func @transform_3(%arg0: i32) -> i32 {
    %add3A = arith.constant 75 : i32
    %add3A_0 = arith.addi %add3A, %arg0 : i32
    %c0_i32 = arith.constant 0 : i32
    return %add3A_0 : i32
  }
  func.func @transform_4(%arg0: i32) -> i32 {
    %c0_i32 = arith.constant 0 : i32
    return %arg0 : i32
  }
}

</mosaic_0001>

<sc_bundles>
// kernel: kernel.4.cloned.1.call-start
scs
__scs_entry_jumppad:
0x0: {  	(pc) =	sbr.rel $0x88, $3  }
0x1: {  	(tag) =	ssettag $0x0;
	lr =	simm.s32 $0x1  }
0x2: {  	[smem:$0x3F9D] =	sst lr;
	_ =	strace $0xD0000000  }
0x3: {  	_ = 	snop  }
0x4: {  	_ = 	snop  }
0x5: {  	_ = 	snop  }
0x6: {  	_ = 	snop  }
0x7: {  	_ = 	snop  }
__scs_overlays_trampoline_lowered:
0x8: {  	[smem:$0x3FAC] =	sst s0  }
0x9: {  	[smem:$0x3FAD] =	sst s1  }
0xa: {  	[smem:$0x3FAE] =	sst s2  }
0xb: {  	[smem:$0x3FAF] =	sst s3  }
0xc: {  	[smem:$0x3FB0] =	sst s4  }
0xd: {  	[smem:$0x3FB1] =	sst s5  }
0xe: {  	[smem:$0x3FB2] =	sst s6  }
0xf: {  	[smem:$0x3FB3] =	sst s7  }
0x10: {  	[smem:$0x3FB4] =	sst s8  }
0x11: {  	[smem:$0x3FB5] =	sst s9;
	s0 =	simm.s32 @!p0 $0x0  }
0x12: {  	s1 =	sld [smem:$0x3F9B];
	s0 =	simm.s32 @p0 $0x1  }
0x13: {  	[smem:$0x3FB6] =	sst s0;
	s0 =	simm.s32 @!p1 $0x0  }
0x14: {  	s2 =	sld [smem:$0x3F9A];
	s0 =	simm.s32 @p1 $0x1  }
0x15: {  	[smem:$0x3FB7] =	sst s0;
	s0 =	simm.s32 @!p2 $0x0  }
0x16: {  	s3 =	sld [smem:$0x3FDB];
	s0 =	simm.s32 @p2 $0x1  }
0x17: {  	s4 =	simm.s32 $0x1BF5;
	[smem:$0x3FB9] =	sst s0  }
0x18: {  	s0 =	sld [smem:$0x3F9C];
	_ =	swait.ge [sflag:s4], $0x0  }
0x19: {  	s7 =	sld [smem:$0x3F9D]  }
0x1a: {  	s8 =	sadd.s32 $0xFFFFE003, lr  }
0x1b: {  	s9 =	sadd.s32 $0xFFFFFEF7, lr;
	s5 =	simm.s32 $0xFFFFFFFF;
	p2 =	slt.u32 s8, $0xFFFFF086  }
0x1c: {  	p1 =	slt.u32 s9, $0xF7A;
	s5 =	simm.s32 @!p2 $0x0  }
0x1d: {  	s5 =	simm.s32 @p1 $0x1;
	p0 =	seq.s32 s7, s2  }
0x1e: {  	s7 =	smul.u32 @!p0 $0xF7A, s2;
	p2 =	seq.s32 @!p0 s5, $0x0  }
0x1f: {  	s9 =	smul.u32 $0xF7A, s1;
	s8 =	simm.s32 @!p0 $0x1BF5;
	p2 =	por !p2, p0  }
0x20: {  	[sflag:s8] =	ssyncset.s32 @!p0 $0xFFFFF086;
	s6 =	sadd.s32 @!p0 s3, s7;
	s7 =	simm.s32 @!p0 $0x108  }
0x21: {  	s3 =	sadd.s32 s3, s9;
	s6 =	sadd.s32 @!p0 $0x88, s6;
	s7 =	simm.s32 @p2 $0x1082  }
0x22: {  	[simem:s7], [sflag:s8] =	dma.local @!p0 [hbm:s6], $0xF7A  }
0x23: {  	s9 =	sor.u32 $0xD0000000, s2;
	s6 =	simm.s32 $0x108;
	_ =	swait.ge @!p0 [sflag:s8], $0x0  }
0x24: {  	s3 =	sadd.s32 $0x88, s3;
	s6 =	simm.s32 @!p1 $0x1082;
	[sflag:s4] =	ssyncset.s32 $0xFFFFF086  }
0x25: {  	[simem:s6], [sflag:s4] =	dma.local [hbm:s3], $0xF7A  }
0x26: {  	[smem:$0x3F9D] =	sst s1;
	(tag) =	ssettag s2;
	_ =	strace s9  }
0x27: {  	s1 =	sld [smem:$0x3FAD]  }
0x28: {  	s2 =	sld [smem:$0x3FAE]  }
0x29: {  	s4 =	sld [smem:$0x3FB0]  }
0x2a: {  	p0 =	seq.s32 s5, $0x0;
	s5 =	sld [smem:$0x3FB1]  }
0x2b: {  	s6 =	sld [smem:$0x3FB2]  }
0x2c: {  	s7 =	sld [smem:$0x3FB3]  }
0x2d: {  	s3 =	simm.s32 $0x108;
	s8 =	sld [smem:$0x3FB4]  }
0x2e: {  	s3 =	simm.s32 @!p0 $0x1082;
	s9 =	sld [smem:$0x3FB5]  }
0x2f: {  	lr =	sadd.s32 s0, s3;
	s0 =	sld [smem:$0x3FAC]  }
0x30: {  	s3 =	sld [smem:$0x3FAF]  }
0x31: {  	[smem:$0x3FB8] =	sst s10  }
0x32: {  	s10 =	sld [smem:$0x3FB6];
	_ =	sdelay $0x3  }
0x33: {  	p0 =	seq.s32 s10, $0x1;
	s10 =	sld [smem:$0x3FB8];
	_ =	sdelay $0x3  }
0x34: {  	[smem:$0x3FB8] =	sst s10  }
0x35: {  	s10 =	sld [smem:$0x3FB7];
	_ =	sdelay $0x3  }
0x36: {  	p1 =	seq.s32 s10, $0x1;
	s10 =	sld [smem:$0x3FB8];
	_ =	sdelay $0x3  }
0x37: {  	[smem:$0x3FB8] =	sst s10  }
0x38: {  	s10 =	sld [smem:$0x3FB9]  }
0x39: {  	_ = 	snop;
	(pc) =	sbr.ind lr, $3  }
0x3a: {  	_ = 	snop  }
0x3b: {  	_ = 	snop  }
0x3c: {  	p2 =	seq.s32 s10, $0x1;
	s10 =	sld [smem:$0x3FB8]  }
0x3d: {  	_ =	shalt  }
0x3e: {  	_ =	shalt  }
0x3f: {  	_ =	shalt  }
0x40: {  	_ =	shalt  }
0x41: {  	_ =	shalt  }
0x42: {  	_ =	shalt  }
0x43: {  	_ =	shalt  }
0x44: {  	_ =	shalt  }
0x45: {  	_ =	shalt  }
0x46: {  	_ =	shalt  }
0x47: {  	_ =	shalt  }
0x48: {  	_ =	shalt  }
0x49: {  	_ =	shalt  }
0x4a: {  	_ =	shalt  }
0x4b: {  	_ =	shalt  }
0x4c: {  	_ =	shalt  }
0x4d: {  	_ =	shalt  }
0x4e: {  	_ =	shalt  }
0x4f: {  	_ =	shalt  }
0x50: {  	_ =	shalt  }
0x51: {  	_ =	shalt  }
0x52: {  	_ =	shalt  }
0x53: {  	_ =	shalt  }
0x54: {  	_ =	shalt  }
0x55: {  	_ =	shalt  }
0x56: {  	_ =	shalt  }
0x57: {  	_ =	shalt  }
0x58: {  	_ =	shalt  }
0x59: {  	_ =	shalt  }
0x5a: {  	_ =	shalt  }
0x5b: {  	_ =	shalt  }
0x5c: {  	_ =	shalt  }
0x5d: {  	_ =	shalt  }
0x5e: {  	_ =	shalt  }
0x5f: {  	_ =	shalt  }
0x60: {  	_ =	shalt  }
0x61: {  	_ =	shalt  }
0x62: {  	_ =	shalt  }
0x63: {  	_ =	shalt  }
0x64: {  	_ =	shalt  }
0x65: {  	_ =	shalt  }
0x66: {  	_ =	shalt  }
0x67: {  	_ =	shalt  }
0x68: {  	_ =	shalt  }
0x69: {  	_ =	shalt  }
0x6a: {  	_ =	shalt  }
0x6b: {  	_ =	shalt  }
0x6c: {  	_ =	shalt  }
0x6d: {  	_ =	shalt  }
0x6e: {  	_ =	shalt  }
0x6f: {  	_ =	shalt  }
0x70: {  	_ =	shalt  }
0x71: {  	_ =	shalt  }
0x72: {  	_ =	shalt  }
0x73: {  	_ =	shalt  }
0x74: {  	_ =	shalt  }
0x75: {  	_ =	shalt  }
0x76: {  	_ =	shalt  }
0x77: {  	_ =	shalt  }
0x78: {  	_ =	shalt  }
0x79: {  	_ =	shalt  }
0x7a: {  	_ =	shalt  }
0x7b: {  	_ =	shalt  }
0x7c: {  	_ =	shalt  }
0x7d: {  	_ =	shalt  }
0x7e: {  	_ =	shalt  }
0x7f: {  	_ =	shalt  }
0x80: {  	_ =	shalt  }
0x81: {  	_ =	shalt  }
0x82: {  	_ =	shalt  }
0x83: {  	_ =	shalt  }
0x84: {  	_ =	shalt  }
0x85: {  	_ =	shalt  }
0x86: {  	_ =	shalt  }
0x87: {  	_ =	shalt  }
.Lfunc_end0:
.L_simem_size_0:
called_computation_lowered:
.L_overlay_start_0:
0x88: {  	s2 =	sld [smem:$0x3FD9]  }
0x89: {  	s3 =	sld [smem:$0x3FFE];
	_ =	sdelay $0x1  }
0x8a: {  	s1 =	srdreg.scid  }
0x8b: {  	s0 =	sand.u32 $0x1, s1  }
0x8c: {  	s18 =	sshll.u32 s0, $0xA;
	s2 =	sadd.s32 s3, s2  }
0x8d: {  	s2 =	sadd.s32 s2, s18  }
0x8e: {  	[smem:$0x3FC4] =	sst s2  }
0x8f: {  	_ = 	snop  }
0x90: {  	s2 =	sld [smem:$0x3FC9]  }
0x91: {  	s19 =	sld [smem:$0x3FC8]  }
0x92: {  	s4 =	sld [smem:$0x3FC7]  }
0x93: {  	s5 =	sld [smem:$0x3FC6]  }
0x94: {  	s6 =	sld [smem:$0x3FD0];
	(tm) =	ssettm $0x1  }
0x95: {  	s7 =	sld [smem:$0x3FFB];
	_ =	sdelay $0x3  }
0x96: {  	_ =	strace s7  }
0x97: {  	s7 =	sld [smem:$0x3FFC];
	_ =	sdelay $0x3  }
0x98: {  	_ =	strace s7  }
0x99: {  	s7 =	sld [smem:$0x3FFD];
	_ =	sdelay $0x3  }
0x9a: {  	_ =	strace s7  }
0x9b: {  	_ =	strace $0x8FFFFFFF  }
0x9c: {  	s20 =	sld [smem:$0x3FDB];
	_ =	sdelay $0x1  }
0x9d: {  	s8 =	simm.s32 $_scs_section_size  }
0x9e: {  	s9 =	simm.s32 $_size__tile_overlayer_lowered;
	s10 =	simm.s32 $_tile_overlayer_lowered  }
0x9f: {  	s23 =	simm.s32 $0x1BFF;
	s22 =	sshll.u32 s10, $0x1;
	s7 =	sadd.s32 s8, s20  }
0xa0: {  	s11 =	simm.s32 $0x0;
	s21 =	sshll.u32 s9, $0x1;
	s9 =	sadd.s32 s22, s7  }
0xa1: {  	[timem:s11], [sflag:s23] =	dma.local [hbm:s9], s21  }
0xa2: {  	_ =	swait.ge [sflag:s23], s21  }
0xa3: {  	s8 =	ssub.s32 $0x0, s21;
	[sflag:s23] =	ssyncset.done $0x0  }
0xa4: {  	[sflag:s23] =	ssyncadd.s32 s8;
	_ =	sdelay $0x1  }
0xa5: {  	s24 =	simm.s32 $0x1B8B  }
0xa6: {  	_ =	swait.ge [sflag:s24], $0x1  }
0xa7: {  	[sflag:s24] =	ssyncset.done $0x0  }
0xa8: {  	s25 =	simm.s32 $0x1B8E;
	[sflag:s24] =	ssyncadd.s32 $0xFFFFFFFF  }
0xa9: {  	s26 =	simm.s32 $execute0_lowered;
	[smem:$0x3FD2] =	sst s25  }
0xaa: {  	s8 =	sshll.u32 s26, $0x1;
	_ =	strace $0x80000046;
	[dreg:$0x1] =	wrdreg $0xFFFFFFFF  }
0xab: {  	s28 =	simm.s32 $_size_execute0_lowered;
	s7 =	sadd.s32 s7, s8;
	[dreg:$0x0] =	wrdreg $0x0  }
0xac: {  	s8 =	sshll.u32 s28, $0x1;
	[dreg:$0x2] =	wrdreg s7  }
0xad: {  	[dreg:$0x3] =	wrdreg s8  }
0xae: {  	[dreg:$0x4] =	wrdreg $0xC0  }
0xaf: {  	_ =	task [dreg:s11], $0x5FFFF  }
0xb0: {  	[dreg:$0x1] =	wrdreg $0xFFFFFFFF  }
0xb1: {  	[dreg:$0x0] =	wrdreg $0x60  }
0xb2: {  	[dreg:$0x2] =	wrdreg s2  }
0xb3: {  	[dreg:$0x3] =	wrdreg s19  }
0xb4: {  	[dreg:$0x4] =	wrdreg s4  }
0xb5: {  	[dreg:$0x5] =	wrdreg s5  }
0xb6: {  	[dreg:$0x6] =	wrdreg s6  }
0xb7: {  	[dreg:$0x7] =	wrdreg $0x9  }
0xb8: {  	_ =	task.clear_ibuf [dreg:s11], $0x8FFFF;
	_ =	strace $0x90000046  }
0xb9: {  	s29 =	simm.s32 $0x9;
	_ =	strace $0x80000048  }
0xba: {  	_ =	swait.ge [sflag:s29], $0x1  }
0xbb: {  	[sflag:s29] =	ssyncadd.s32 $0xFFFFFFFF  }
0xbc: {  	_ =	strace $0x90000048  }
0xbd: {  	_ =	sfence  }
0xbe: {  	s30 =	sld [smem:$0x0];
	_ =	sdelay $0x2  }
0xbf: {  	s31 =	sshll.u32 s1, $0xD;
	s1 =	sshrl.u32 s1, $0x2  }
0xc0: {  	s3 =	sand.u32 $0x4000, s31;
	s1 =	sadd.s32 s1, s30  }
0xc1: {  	s0 =	sor.u32 s3, s0;
	s1 =	sshll.u32 s1, $0x11  }
0xc2: {  	s0 =	sor.u32 s1, s0  }
0xc3: {  	s0 =	sadd.s32 $0x8F2B, s0  }
0xc4: {  	[sflag:s0] =	ssyncadd.remote.s32 $0x1  }
0xc5: {  	_ =	sfence.sel $0xFFFF  }
0xc6: {  	[dreg:$0x0] =	wrdreg $0xFFFFFFFF;
	(pc) =	sbr.abs _section_cstart, $3  }
0xc7: {  	[dreg:$0x1] =	wrdreg $0xFFFFFFFF  }
0xc8: {  	_ =	task.clear_ibuf [dreg:s11], $0x2FFFF;
	_ =	strace $0x9FFFFFFF  }
0xc9: {  	(tm) =	ssettm $0x7FFFFFFF  }
tec
execute0_lowered:
.L_overlay_start_1:
0x0: {  	(tag) =	ssettag $0x1  }
0x1: {  	s1 =	rddreg [dreg:$0x0]  }
0x2: {  	s2 =	rddreg [dreg:$0x1]  }
0x3: {  	s3 =	rddreg [dreg:$0x2];
	s0 =	srdreg.scid  }
0x4: {  	s4 =	stileid.u32;
	s6 =	rddreg [dreg:$0x4]  }
0x5: {  	s7 =	simm.s32 $0x0;
	s19 =	simm.s32 $0x5;
	s28 =	simm.s32 $0x80  }
0x6: {  	s29 =	simm.s32 $0xB500;
	s0 =	sand.u32 $0x1, s0;
	s4 =	sshll.u32 s4, $0x1  }
0x7: {  	s30 =	simm.s32 $0x2;
	s31 =	simm.s32 $0xD300;
	s4 =	sor.u32 s0, s4  }
0x8: {  	[smem:$0x7FF] =	sst s7;
	s0 =	ssub.s32 $0x2, s0;
	s8 =	smul.u32 $0x12C00, s4  }
0x9: {  	_ =	strace $0x80000047;
	s23 =	sshrl.u32 s0, $0x1;
	s4 =	simm.s32 $0x3  }
0xa: {  	s0 =	ssub.s32 s0, s23;
	s5 =	sshrl.u32 s8, $0x3;
	s10 =	sadd.s32 $0x1E00, s8  }
0xb: {  	s16 =	sadd.s32 $0x3C00, s8;
	s17 =	sadd.s32 $0x5A00, s8;
	s18 =	smax.u32 s0, $0x1  }
0xc: {  	s0 =	simm.s32 $0x4;
	s24 =	sadd.s32 s1, s5;
	s25 =	sadd.s32 s2, s5  }
0xd: {  	s12 =	sadd.s32 s3, s5;
	s26 =	sshrl.u32 s10, $0x3;
	[dreg:$0x6] =	wrdreg s24  }
0xe: {  	s5 =	simm.s32 $0x0;
	[dreg:$0x7] =	wrdreg s25;
	s13 =	sadd.s32 s1, s26  }
0xf: {  	s14 =	sadd.s32 s2, s26;
	s15 =	sadd.s32 s3, s26;
	s26 =	simm.s32 $0x1  }
.LBB2_1:
0x10: {  	s9 =	rddreg [dreg:$0x3]  }
0x11: {  	[tilespmem:s7], [sflag:$0x5] =	stream.linear.gather [hbm4b:s9+s7], $0xF, $0x38;
	[tilespmem:$0xF100] =	vst v63  }
0x12: {  	_ =	swait.ge [sflag:s19], $0xF  }
0x13: {  	[sflag:s19] =	ssyncset.done $0x0  }
0x14: {  	[sflag:s19] =	ssyncadd.s32 $0xFFFFFFF1  }
0x15: {  	v0 =	vld [tilespmem:$0x0];
	_ =	sdelay $0x4  }
0x16: {  	v0 =	vsub.f32 $0.0e+00, v0;
	_ =	sdelay $0x1  }
0x17: {  	v0 =	vmul.f32 $1.442695020e+00, v0;
	_ =	sdelay $0x1  }
0x18: {  	(erf) = vpow2.f32 v0;
	_ =	sdelay $0x8  }
0x19: {  	v0 =	vpop (erf)  }
0x1a: {  	v0 =	vsub.f32 $0.0e+00, v0;
	_ =	sdelay $0x1  }
0x1b: {  	s11 =	simm.s32 $0x100;
	s25 =	rddreg [dreg:$0x6];
	[tilespmem:$0x80] =	vst v0  }
0x1c: {  	[tilespmem:s11], [sflag:$0x1] =	stream.linear.gather [hbm4b:s25+s7], $0x1E00, $0x38;
	[tilespmem:$0xF100] =	vst v63  }
0x1d: {  	s21 =	simm.s32 $0x3D00;
	s20 =	rddreg [dreg:$0x7]  }
0x1e: {  	[tilespmem:s21], [sflag:$0x1] =	stream.linear.gather [hbm4b:s20+s7], $0x1E00, $0x38;
	[tilespmem:$0xF100] =	vst v63  }
0x1f: {  	s22 =	simm.s32 $0x7900  }
0x20: {  	[tilespmem:s22], [sflag:$0x1] =	stream.linear.gather [hbm4b:s12+s7], $0x1E00, $0x38;
	[tilespmem:$0xF100] =	vst v63  }
0x21: {  	s23 =	simm.s32 $0x1F00  }
0x22: {  	[tilespmem:s23], [sflag:$0x2] =	stream.linear.gather [hbm4b:s13+s7], $0x1E00, $0x38;
	[tilespmem:$0xF100] =	vst v63  }
0x23: {  	s24 =	simm.s32 $0x5B00  }
0x24: {  	[tilespmem:s24], [sflag:$0x2] =	stream.linear.gather [hbm4b:s14+s7], $0x1E00, $0x38;
	[tilespmem:$0xF100] =	vst v63  }
0x25: {  	s25 =	simm.s32 $0x9700;
	s21 =	simm.s32 $0x0  }
0x26: {  	[tilespmem:s25], [sflag:$0x2] =	stream.linear.gather [hbm4b:s15+s7], $0x1E00, $0x38;
	[tilespmem:$0xF100] =	vst v63  }
.LBB2_2:
0x27: {  	_ =	swait.ge [sflag:s26], $0x1E00  }
0x28: {  	[sflag:s26] =	ssyncset.done $0x0  }
0x29: {  	[sflag:s26] =	ssyncadd.s32 $0xFFFFE200  }
0x2a: {  	_ =	swait.ge [sflag:s26], $0x1E00  }
0x2b: {  	[sflag:s26] =	ssyncset.done $0x0  }
0x2c: {  	[sflag:s26] =	ssyncadd.s32 $0xFFFFE200  }
0x2d: {  	_ =	swait.ge [sflag:s26], $0x1E00  }
0x2e: {  	p1 =	seq.s32 s21, $0x0;
	[sflag:s26] =	ssyncset.done $0x0  }
0x2f: {  	s9 =	simm.s32 @!p1 $0x3;
	[sflag:s26] =	ssyncadd.s32 $0xFFFFE200  }
0x30: {  	_ =	swait.ge @!p1 [sflag:s9], $0x1E00  }
0x31: {  	[sflag:s9] =	ssyncset.done @!p1 $0x0  }
0x32: {  	s20 =	simm.s32 $0x3D20;
	[sflag:s9] =	ssyncadd.s32 @!p1 $0xFFFFE200  }
0x33: {  	v0 =	vld [tilespmem:s20+$0x10];
	_ =	sdelay $0x4  }
0x34: {  	v1 =	vld [tilespmem:s20+$0xFFFFFFE0];
	v0 =	vmul.f32 $5.129898550e+00, v0  }
0x35: {  	v2 =	vld [tilespmem:s20+$0xFFFFFFF0]  }
0x36: {  	s11 =	simm.s32 $0x7920;
	v0 =	vmul.f32 $1.442695020e+00, v0  }
0x37: {  	v3 =	vld [tilespmem:s11+$0x10]  }
0x38: {  	v4 =	vld [tilespmem:s20+$0x0];
	(erf) = vpow2.f32 v0  }
0x39: {  	v0 =	vmul.f32 $5.129898550e+00, v1  }
0x3a: {  	s22 =	simm.s32 $0x3D60;
	v2 =	vmul.f32 $5.129898550e+00, v2  }
0x3b: {  	v7 =	vld [tilespmem:s22+$0x10];
	v0 =	vmul.f32 $1.442695020e+00, v0  }
0x3c: {  	v5 =	vld [tilespmem:s11+$0xFFFFFFF0];
	v2 =	vmul.f32 $1.442695020e+00, v2  }
0x3d: {  	v6 =	vld [tilespmem:s11+$0x0];
	v4 =	vmul.f32 $5.129898550e+00, v4;
	(erf) = vpow2.f32 v0  }
0x3e: {  	v1 =	vld [tilespmem:s11+$0xFFFFFFE0];
	(erf) = vpow2.f32 v2  }
0x3f: {  	v4 =	vmul.f32 $1.442695020e+00, v4;
	v0 =	vld.idx.msk [tilespmem:v3+s28+$0x0], $0xffff  }
0x40: {  	v7 =	vmul.f32 $5.129898550e+00, v7;
	v2 =	vld [tilespmem:s22+$0xFFFFFFE0]  }
0x41: {  	v3 =	vld [tilespmem:s22+$0xFFFFFFF0];
	(erf) = vpow2.f32 v4;
	v8 =	vpop (erf)  }
0x42: {  	v7 =	vmul.f32 $1.442695020e+00, v7;
	v4 =	vld [tilespmem:s22+$0x0];
	v8 =	vadd.f32 $-1.000000000e+00, v8  }
0x43: {  	s23 =	simm.s32 $0x7960  }
0x44: {  	v9 =	vld [tilespmem:s23+$0x10];
	v0 =	vmul.f32 v8, v0  }
0x45: {  	v5 =	vld.idx.msk [tilespmem:v5+s28+$0x0], $0xffff;
	(erf) = vpow2.f32 v7;
	v2 =	vmul.f32 $5.129898550e+00, v2  }
0x46: {  	v1 =	vld.idx.msk [tilespmem:v1+s28+$0x0], $0xffff;
	v3 =	vmul.f32 $5.129898550e+00, v3;
	v7 =	vpop (erf);
	v0 =	vmul.f32 $1.442695020e+00, v0  }
0x47: {  	v10 =	vld [tilespmem:s23+$0x0];
	v4 =	vmul.f32 $5.129898550e+00, v4;
	v2 =	vmul.f32 $1.442695020e+00, v2;
	v11 =	vpop (erf)  }
0x48: {  	v12 =	vld [tilespmem:s23+$0xFFFFFFE0];
	v3 =	vmul.f32 $1.442695020e+00, v3;
	v11 =	vadd.f32 $-1.000000000e+00, v11;
	(erf) = vpow2.f32 v0  }
0x49: {  	v6 =	vld.idx.msk [tilespmem:v6+s28+$0x0], $0xffff;
	v7 =	vadd.f32 $-1.000000000e+00, v7;
	v0 =	vmul.f32 $1.442695020e+00, v4;
	(erf) = vpow2.f32 v2  }
0x4a: {  	s24 =	simm.s32 $0x120;
	v8 =	vld [tilespmem:s23+$0xFFFFFFF0];
	v13 =	vpop (erf);
	(erf) = vpow2.f32 v3;
	v3 =	vmul.f32 v11, v5  }
0x4b: {  	s25 =	simm.s32 $0x3DA0;
	v4 =	vld [tilespmem:s24+$0x10];
	v1 =	vmul.f32 v7, v1  }
0x4c: {  	v13 =	vadd.f32 $-1.000000000e+00, v13;
	v7 =	vld [tilespmem:s25+$0xFFFFFFE0];
	(erf) = vpow2.f32 v0;
	v0 =	vmul.f32 $1.442695020e+00, v3  }
0x4d: {  	v2 =	vld [tilespmem:s25+$0x10];
	v1 =	vmul.f32 $1.442695020e+00, v1  }
0x4e: {  	v5 =	vld.idx.msk [tilespmem:v9+s28+$0x0], $0xffff;
	v6 =	vmul.f32 v13, v6  }
0x4f: {  	v3 =	vld [tilespmem:s25+$0xFFFFFFF0];
	(erf) = vpow2.f32 v1  }
0x50: {  	v6 =	vmul.f32 $1.442695020e+00, v6;
	v1 =	vld [tilespmem:s25+$0x0];
	(erf) = vpow2.f32 v0;
	v0 =	vpop (erf)  }
0x51: {  	v14 =	vld.idx.msk [tilespmem:v10+s28+$0x0], $0xffff;
	v0 =	vadd.f32 $-1.000000000e+00, v0  }
0x52: {  	v10 =	vld [tilespmem:s24+$0xFFFFFFF0];
	v7 =	vmul.f32 $5.129898550e+00, v7;
	v2 =	vmul.f32 $5.129898550e+00, v2  }
0x53: {  	v9 =	vld [tilespmem:s24+$0xFFFFFFE0];
	(erf) = vpow2.f32 v6;
	v0 =	vmul.f32 v0, v5  }
0x54: {  	v11 =	vld.idx.msk [tilespmem:v12+s28+$0x0], $0xffff;
	v4 =	vsub.f32 $1.000000000e+00, v4;
	v2 =	vmul.f32 $1.442695020e+00, v2;
	v6 =	vpop (erf);
	v3 =	vmul.f32 $5.129898550e+00, v3  }
0x55: {  	v12 =	vld.idx.msk [tilespmem:v8+s28+$0x0], $0xffff;
	s25 =	simm.s32 $0x79A0;
	v13 =	vmul.f32 $5.129898550e+00, v1;
	v5 =	vpop (erf);
	v0 =	vmul.f32 $1.442695020e+00, v0  }
0x56: {  	v4 =	vmul.f32 v6, v4;
	v6 =	vld [tilespmem:s25+$0x10];
	v15 =	vadd.f32 $-1.000000000e+00, v5;
	v5 =	vmul.f32 $1.442695020e+00, v7  }
0x57: {  	v8 =	vld [tilespmem:s25+$0xFFFFFFE0];
	(erf) = vpow2.f32 v2;
	v3 =	vmul.f32 $1.442695020e+00, v3  }
0x58: {  	v1 =	vld [tilespmem:s25+$0xFFFFFFF0];
	v13 =	vmul.f32 $1.442695020e+00, v13;
	v7 =	vpop (erf);
	(erf) = vpow2.f32 v0  }
0x59: {  	v2 =	vld [tilespmem:s25+$0x0];
	v16 =	vsub.f32 $1.000000000e+00, v4;
	v17 =	vadd.f32 $-1.000000000e+00, v7;
	v0 =	vpop (erf);
	(erf) = vpow2.f32 v5  }
0x5a: {  	s20 =	smul.u32 $0x3C00, s21;
	v7 =	vld [tilespmem:s24+$0x0];
	s24 =	simm.s32 $0x160;
	v15 =	vmul.f32 v15, v11;
	v18 =	vadd.f32 $-1.000000000e+00, v0;
	v5 =	vpop (erf);
	(erf) = vpow2.f32 v3  }
0x5b: {  	s23 =	simm.s32 $0xB520;
	v12 =	vmul.f32 v17, v12;
	v0 =	vsub.f32 $1.000000000e+00, v9;
	v9 =	vld [tilespmem:s24+$0x10];
	v4 =	vpop (erf);
	(erf) = vpow2.f32 v13  }
0x5c: {  	s9 =	simm.s32 $0x80;
	s11 =	simm.s32 $0x3DE0;
	s22 =	sadd.s32 s8, s20;
	[tilespmem:s23+$0x10] =	vst v16;
	v11 =	vsub.f32 $1.000000000e+00, v10;
	v10 =	vld [tilespmem:s24+$0xFFFFFFE0];
	v13 =	vmul.f32 $1.442695020e+00, v15;
	v3 =	vpop (erf);
	v14 =	vmul.f32 v18, v14  }
.LBB2_3:
0x5d: {  	v15 =	vld [tilespmem:s11+$0x10];
	v16 =	vmul.f32 $1.442695020e+00, v12;
	v0 =	vmul.f32 v5, v0  }
0x5e: {  	v5 =	vld.idx.msk [tilespmem:v6+s28+$0x0], $0xffff;
	v6 =	vmul.f32 $1.442695020e+00, v14;
	(erf) = vpow2.f32 v13  }
0x5f: {  	s9 =	sadd.s32 $0x40, s9;
	v4 =	vmul.f32 v4, v11;
	v13 =	vld [tilespmem:s11+$0xFFFFFFE0];
	(erf) = vpow2.f32 v16;
	v7 =	vsub.f32 $1.000000000e+00, v7  }
0x60: {  	p0 =	slt.u32 s9, $0x1DC0;
	v11 =	vld [tilespmem:s11+$0xFFFFFFF0];
	v12 =	vpop (erf);
	v9 =	vsub.f32 $1.000000000e+00, v9;
	(erf) = vpow2.f32 v6;
	v6 =	vsub.f32 $1.000000000e+00, v0  }
0x61: {  	v4 =	vsub.f32 $1.000000000e+00, v4;
	v14 =	vld [tilespmem:s11+$0x0];
	v0 =	vsub.f32 $1.000000000e+00, v10;
	v10 =	vpop (erf);
	v3 =	vmul.f32 v3, v7  }
0x62: {  	v7 =	vld.idx.msk [tilespmem:v8+s28+$0x0], $0xffff;
	v8 =	vadd.f32 $-1.000000000e+00, v12;
	v12 =	vpop (erf);
	v9 =	vmul.f32 v10, v9;
	[tilespmem:s23+$0xFFFFFFE0] =	vst v6  }
0x63: {  	v6 =	vmul.f32 $5.129898550e+00, v15;
	v10 =	vadd.f32 $-1.000000000e+00, v12;
	v12 =	vld.idx.msk [tilespmem:v1+s28+$0x0], $0xffff;
	v1 =	vpop (erf);
	[tilespmem:s23+$0xFFFFFFF0] =	vst v4;
	v3 =	vsub.f32 $1.000000000e+00, v3  }
0x64: {  	v4 =	vmul.f32 $5.129898550e+00, v13;
	v15 =	vld.idx.msk [tilespmem:v2+s28+$0x0], $0xffff;
	v2 =	vmul.f32 v8, v5;
	v5 =	vpop (erf);
	v8 =	vsub.f32 $1.000000000e+00, v9  }
0x65: {  	s25 =	sadd.s32 $0x40, s25;
	v13 =	vadd.f32 $-1.000000000e+00, v1;
	v9 =	vmul.f32 $5.129898550e+00, v11;
	v11 =	vmul.f32 $1.442695020e+00, v6;
	v16 =	vld [tilespmem:s24+$0xFFFFFFF0];
	[tilespmem:s23+$0x0] =	vst v3;
	s23 =	sadd.s32 $0x40, s23  }
0x66: {  	v19 =	vmul.f32 $5.129898550e+00, v14;
	v6 =	vld [tilespmem:s25+$0x10];
	v14 =	vadd.f32 $-1.000000000e+00, v5;
	v17 =	vmul.f32 $1.442695020e+00, v2;
	[tilespmem:s23+$0x10] =	vst v8  }
0x67: {  	v18 =	vmul.f32 $1.442695020e+00, v4;
	v1 =	vld [tilespmem:s25+$0xFFFFFFF0];
	(erf) = vpow2.f32 v11;
	v5 =	vpop (erf)  }
.Ltmp0:
0x68: {  	v9 =	vmul.f32 $1.442695020e+00, v9;
	v2 =	vld [tilespmem:s25+$0x0];
	(erf) = vpow2.f32 v17;
	v4 =	vpop (erf);
	(pc) =	sbr.rel @p0 .LBB2_3-.Ltmp0, $4  }
0x69: {  	v17 =	vmul.f32 $1.442695020e+00, v19;
	v8 =	vld [tilespmem:s25+$0xFFFFFFE0];
	(erf) = vpow2.f32 v18;
	v3 =	vpop (erf)  }
0x6a: {  	v10 =	vmul.f32 v10, v7;
	(erf) = vpow2.f32 v9;
	v11 =	vsub.f32 $1.000000000e+00, v16;
	v7 =	vld [tilespmem:s24+$0x0];
	s24 =	sadd.s32 $0x40, s24  }
0x6b: {  	v12 =	vmul.f32 v13, v12;
	(erf) = vpow2.f32 v17;
	v9 =	vld [tilespmem:s24+$0x10]  }
0x6c: {  	s11 =	sadd.s32 $0x40, s11;
	v13 =	vmul.f32 $1.442695020e+00, v10;
	v14 =	vmul.f32 v14, v15;
	v10 =	vld [tilespmem:s24+$0xFFFFFFE0]  }
0x6d: {  	_ =	sdelay $0x3  }
0x6e: {  	v6 =	vld.idx.msk [tilespmem:v6+s28+$0x0], $0xffff  }
0x6f: {  	v12 =	vmul.f32 $1.442695020e+00, v12;
	v8 =	vld.idx.msk [tilespmem:v8+s28+$0x0], $0xffff;
	v15 =	vpop (erf)  }
0x70: {  	v1 =	vld.idx.msk [tilespmem:v1+s28+$0x0], $0xffff;
	v16 =	vpop (erf)  }
0x71: {  	v2 =	vld.idx.msk [tilespmem:v2+s28+$0x0], $0xffff;
	v15 =	vadd.f32 $-1.000000000e+00, v15;
	v17 =	vpop (erf)  }
0x72: {  	v14 =	vmul.f32 $1.442695020e+00, v14;
	(erf) = vpow2.f32 v13;
	v13 =	vadd.f32 $-1.000000000e+00, v17;
	v61 =	vpop (erf)  }
0x73: {  	(erf) = vpow2.f32 v12;
	v6 =	vmul.f32 v15, v6;
	v12 =	vpop (erf);
	v15 =	vadd.f32 $-1.000000000e+00, v61  }
0x74: {  	(erf) = vpow2.f32 v14;
	v12 =	vadd.f32 $-1.000000000e+00, v12;
	v8 =	vmul.f32 v13, v8  }
0x75: {  	v6 =	vmul.f32 $1.442695020e+00, v6;
	v1 =	vmul.f32 v15, v1  }
0x76: {  	v8 =	vmul.f32 $1.442695020e+00, v8;
	v2 =	vmul.f32 v12, v2  }
0x77: {  	(erf) = vpow2.f32 v6;
	v1 =	vmul.f32 $1.442695020e+00, v1  }
0x78: {  	v2 =	vmul.f32 $1.442695020e+00, v2;
	(erf) = vpow2.f32 v8  }
0x79: {  	v6 =	vld [tilespmem:s24+$0xFFFFFFF0];
	(erf) = vpow2.f32 v1;
	v1 =	vsub.f32 $1.000000000e+00, v7  }
0x7a: {  	s9 =	sadd.s32 $0x40, s24;
	v8 =	vld [tilespmem:s24+$0x0];
	(erf) = vpow2.f32 v2;
	v2 =	vmul.f32 v4, v11;
	v4 =	vsub.f32 $1.000000000e+00, v9  }
0x7b: {  	v0 =	vmul.f32 v5, v0;
	v5 =	vld [tilespmem:s9+$0x10];
	v1 =	vmul.f32 v3, v1  }
0x7c: {  	v7 =	vld [tilespmem:s9+$0xFFFFFFE0];
	v4 =	vmul.f32 v16, v4  }
0x7d: {  	v0 =	vsub.f32 $1.000000000e+00, v0;
	v9 =	vsub.f32 $1.000000000e+00, v10  }
0x7e: {  	v10 =	vpop (erf);
	v6 =	vsub.f32 $1.000000000e+00, v6;
	v2 =	vsub.f32 $1.000000000e+00, v2  }
0x7f: {  	[tilespmem:s23+$0xFFFFFFE0] =	vst v0;
	v3 =	vld [tilespmem:s9+$0xFFFFFFF0];
	v0 =	vsub.f32 $1.000000000e+00, v1;
	v8 =	vsub.f32 $1.000000000e+00, v8;
	v1 =	vpop (erf)  }
0x80: {  	v5 =	vsub.f32 $1.000000000e+00, v5;
	v11 =	vld [tilespmem:s9+$0x0];
	v9 =	vmul.f32 v10, v9;
	[tilespmem:s23+$0xFFFFFFF0] =	vst v2;
	v2 =	vsub.f32 $1.000000000e+00, v4;
	v4 =	vpop (erf)  }
0x81: {  	s11 =	sadd.s32 $0x40, s23;
	v1 =	vmul.f32 v1, v6;
	v6 =	vsub.f32 $1.000000000e+00, v7;
	v7 =	vpop (erf);
	v4 =	vmul.f32 v4, v8  }
0x82: {  	[tilespmem:s11+$0x10] =	vst v2;
	v2 =	vmul.f32 v7, v5  }
0x83: {  	[tilespmem:s23+$0x0] =	vst v0;
	v0 =	vsub.f32 $1.000000000e+00, v9  }
0x84: {  	v3 =	vsub.f32 $1.000000000e+00, v3;
	v1 =	vsub.f32 $1.000000000e+00, v1;
	v5 =	vpop (erf)  }
0x85: {  	[tilespmem:s11+$0xFFFFFFE0] =	vst v0;
	v0 =	vsub.f32 $1.000000000e+00, v4;
	v5 =	vmul.f32 v5, v6;
	v6 =	vsub.f32 $1.000000000e+00, v11;
	v4 =	vpop (erf)  }
0x86: {  	[tilespmem:s11+$0xFFFFFFF0] =	vst v1;
	v1 =	vsub.f32 $1.000000000e+00, v2;
	v2 =	vpop (erf);
	v3 =	vmul.f32 v4, v3  }
0x87: {  	s9 =	sadd.s32 $0x40, s11;
	[tilespmem:s11+$0x0] =	vst v0;
	v0 =	vsub.f32 $1.000000000e+00, v5;
	v2 =	vmul.f32 v2, v6  }
0x88: {  	[tilespmem:s9+$0x10] =	vst v1;
	v1 =	vsub.f32 $1.000000000e+00, v3  }
0x89: {  	[tilespmem:s9+$0xFFFFFFE0] =	vst v0;
	v0 =	vsub.f32 $1.000000000e+00, v2  }
0x8a: {  	p0 =	seq.s32 s21, $0x4;
	s11 =	sshrl.u32 s22, $0x3;
	[tilespmem:s9+$0xFFFFFFF0] =	vst v1  }
0x8b: {  	s23 =	sadd.s32 s6, s11;
	[tilespmem:s9+$0x0] =	vst v0;
	s9 =	sadd.s32 @!p0 s20, s16  }
0x8c: {  	[hbm4b:s23+s7] =	stream.linear.scatter [tilespmem:s29], [sflag:$0x3], $0x1E00, $0x38;
	[tilespmem:$0xF100] =	vst v63  }
0x8d: {  	s9 =	sshrl.u32 @!p0 s9, $0x3  }
0x8e: {  	s22 =	simm.s32 @!p0 $0x0;
	s23 =	simm.s32 @!p0 $0x100;
	s11 =	sadd.s32 @!p0 s1, s9  }
0x8f: {  	[tilespmem:s23], [sflag:$0x1] =	stream.linear.gather @!p0 [hbm4b:s11+s22], $0x1E00, $0x38;
	[tilespmem:$0xF100] =	vst v63  }
0x90: {  	s11 =	sadd.s32 @!p0 s2, s9;
	s23 =	simm.s32 @!p0 $0x3D00  }
0x91: {  	[tilespmem:s23], [sflag:$0x1] =	stream.linear.gather @!p0 [hbm4b:s11+s22], $0x1E00, $0x38;
	[tilespmem:$0xF100] =	vst v63  }
0x92: {  	s9 =	sadd.s32 @!p0 s3, s9;
	s11 =	simm.s32 @!p0 $0x7900  }
0x93: {  	[tilespmem:s11], [sflag:$0x1] =	stream.linear.gather @!p0 [hbm4b:s9+s22], $0x1E00, $0x38;
	[tilespmem:$0xF100] =	vst v63  }
0x94: {  	_ =	swait.ge [sflag:s30], $0x1E00  }
0x95: {  	[sflag:s30] =	ssyncset.done $0x0  }
0x96: {  	[sflag:s30] =	ssyncadd.s32 $0xFFFFE200  }
0x97: {  	_ =	swait.ge [sflag:s30], $0x1E00  }
0x98: {  	[sflag:s30] =	ssyncset.done $0x0  }
0x99: {  	[sflag:s30] =	ssyncadd.s32 $0xFFFFE200  }
0x9a: {  	_ =	swait.ge [sflag:s30], $0x1E00  }
0x9b: {  	[sflag:s30] =	ssyncset.done $0x0  }
0x9c: {  	s9 =	simm.s32 @!p1 $0x4;
	[sflag:s30] =	ssyncadd.s32 $0xFFFFE200  }
0x9d: {  	_ =	swait.ge @!p1 [sflag:s9], $0x1E00  }
0x9e: {  	[sflag:s9] =	ssyncset.done @!p1 $0x0  }
0x9f: {  	s24 =	simm.s32 $0x5B20;
	[sflag:s9] =	ssyncadd.s32 @!p1 $0xFFFFE200  }
0xa0: {  	v0 =	vld [tilespmem:s24+$0x10];
	_ =	sdelay $0x4  }
0xa1: {  	v1 =	vld [tilespmem:s24+$0xFFFFFFE0];
	v0 =	vmul.f32 $5.129898550e+00, v0  }
0xa2: {  	v2 =	vld [tilespmem:s24+$0xFFFFFFF0]  }
0xa3: {  	s25 =	simm.s32 $0x9720;
	v0 =	vmul.f32 $1.442695020e+00, v0  }
0xa4: {  	v3 =	vld [tilespmem:s25+$0x10]  }
0xa5: {  	(erf) = vpow2.f32 v0  }
0xa6: {  	v4 =	vld [tilespmem:s24+$0x0];
	v0 =	vmul.f32 $5.129898550e+00, v1  }
0xa7: {  	s22 =	simm.s32 $0x5B60;
	v5 =	vld [tilespmem:s25+$0xFFFFFFF0];
	v2 =	vmul.f32 $5.129898550e+00, v2  }
0xa8: {  	v7 =	vld [tilespmem:s22+$0x10];
	v0 =	vmul.f32 $1.442695020e+00, v0  }
0xa9: {  	s23 =	simm.s32 $0x9760;
	v6 =	vld [tilespmem:s25+$0x0];
	v2 =	vmul.f32 $1.442695020e+00, v2  }
0xaa: {  	v10 =	vld [tilespmem:s23+$0x0];
	(erf) = vpow2.f32 v0  }
0xab: {  	v4 =	vmul.f32 $5.129898550e+00, v4;
	v1 =	vld [tilespmem:s25+$0xFFFFFFE0];
	(erf) = vpow2.f32 v2  }
0xac: {  	v0 =	vld.idx.msk [tilespmem:v3+s28+$0x0], $0xffff  }
0xad: {  	v7 =	vmul.f32 $5.129898550e+00, v7;
	v4 =	vmul.f32 $1.442695020e+00, v4;
	v2 =	vld [tilespmem:s22+$0xFFFFFFE0]  }
0xae: {  	v3 =	vld [tilespmem:s22+$0xFFFFFFF0];
	v8 =	vpop (erf)  }
0xaf: {  	v7 =	vmul.f32 $1.442695020e+00, v7;
	(erf) = vpow2.f32 v4;
	v4 =	vld [tilespmem:s22+$0x0];
	v8 =	vadd.f32 $-1.000000000e+00, v8;
	_ =	sdelay $0x1  }
0xb0: {  	v9 =	vld [tilespmem:s23+$0x10];
	v0 =	vmul.f32 v8, v0  }
0xb1: {  	v5 =	vld.idx.msk [tilespmem:v5+s28+$0x0], $0xffff;
	(erf) = vpow2.f32 v7;
	v2 =	vmul.f32 $5.129898550e+00, v2  }
0xb2: {  	v1 =	vld.idx.msk [tilespmem:v1+s28+$0x0], $0xffff;
	v3 =	vmul.f32 $5.129898550e+00, v3;
	v7 =	vpop (erf);
	v0 =	vmul.f32 $1.442695020e+00, v0  }
0xb3: {  	v4 =	vmul.f32 $5.129898550e+00, v4;
	v2 =	vmul.f32 $1.442695020e+00, v2;
	v11 =	vpop (erf)  }
0xb4: {  	v12 =	vld [tilespmem:s23+$0xFFFFFFE0];
	v3 =	vmul.f32 $1.442695020e+00, v3;
	v11 =	vadd.f32 $-1.000000000e+00, v11;
	(erf) = vpow2.f32 v0  }
0xb5: {  	v6 =	vld.idx.msk [tilespmem:v6+s28+$0x0], $0xffff;
	v7 =	vadd.f32 $-1.000000000e+00, v7;
	v0 =	vmul.f32 $1.442695020e+00, v4;
	(erf) = vpow2.f32 v2  }
0xb6: {  	v14 =	vld.idx.msk [tilespmem:v10+s28+$0x0], $0xffff;
	(erf) = vpow2.f32 v3;
	v3 =	vmul.f32 v11, v5  }
0xb7: {  	s25 =	simm.s32 $0x5BA0;
	v8 =	vld [tilespmem:s23+$0xFFFFFFF0];
	v1 =	vmul.f32 v7, v1  }
0xb8: {  	v13 =	vpop (erf);
	v7 =	vld [tilespmem:s25+$0xFFFFFFE0];
	(erf) = vpow2.f32 v0;
	v0 =	vmul.f32 $1.442695020e+00, v3  }
0xb9: {  	v13 =	vadd.f32 $-1.000000000e+00, v13;
	v2 =	vld [tilespmem:s25+$0x10];
	v1 =	vmul.f32 $1.442695020e+00, v1  }
0xba: {  	s24 =	simm.s32 $0x1F20;
	v5 =	vld.idx.msk [tilespmem:v9+s28+$0x0], $0xffff  }
0xbb: {  	v4 =	vld [tilespmem:s24+$0x10];
	v6 =	vmul.f32 v13, v6;
	(erf) = vpow2.f32 v1  }
0xbc: {  	v3 =	vld [tilespmem:s25+$0xFFFFFFF0];
	(erf) = vpow2.f32 v0;
	v0 =	vpop (erf)  }
0xbd: {  	v6 =	vmul.f32 $1.442695020e+00, v6;
	v1 =	vld [tilespmem:s25+$0x0];
	v0 =	vadd.f32 $-1.000000000e+00, v0  }
0xbe: {  	v10 =	vld [tilespmem:s24+$0xFFFFFFF0];
	v7 =	vmul.f32 $5.129898550e+00, v7;
	v2 =	vmul.f32 $5.129898550e+00, v2  }
0xbf: {  	v9 =	vld [tilespmem:s24+$0xFFFFFFE0];
	(erf) = vpow2.f32 v6;
	v0 =	vmul.f32 v0, v5  }
0xc0: {  	v11 =	vld.idx.msk [tilespmem:v12+s28+$0x0], $0xffff;
	v4 =	vsub.f32 $1.000000000e+00, v4;
	v7 =	vmul.f32 $1.442695020e+00, v7;
	v2 =	vmul.f32 $1.442695020e+00, v2  }
0xc1: {  	v12 =	vld.idx.msk [tilespmem:v8+s28+$0x0], $0xffff;
	s25 =	simm.s32 $0x97A0;
	v6 =	vpop (erf);
	v3 =	vmul.f32 $5.129898550e+00, v3;
	v0 =	vmul.f32 $1.442695020e+00, v0  }
0xc2: {  	v13 =	vmul.f32 $5.129898550e+00, v1;
	v4 =	vmul.f32 v6, v4;
	v6 =	vld [tilespmem:s25+$0x10];
	v5 =	vpop (erf)  }
0xc3: {  	v1 =	vld [tilespmem:s25+$0xFFFFFFF0];
	(erf) = vpow2.f32 v2;
	v3 =	vmul.f32 $1.442695020e+00, v3;
	v5 =	vadd.f32 $-1.000000000e+00, v5  }
0xc4: {  	v2 =	vld [tilespmem:s25+$0x0];
	v13 =	vmul.f32 $1.442695020e+00, v13;
	v8 =	vpop (erf);
	(erf) = vpow2.f32 v0  }
0xc5: {  	v15 =	vsub.f32 $1.000000000e+00, v4;
	v62 =	vadd.f32 $-1.000000000e+00, v8;
	v8 =	vld [tilespmem:s25+$0xFFFFFFE0];
	v0 =	vpop (erf);
	(erf) = vpow2.f32 v7  }
0xc6: {  	v18 =	vmul.f32 v5, v11;
	v7 =	vld [tilespmem:s24+$0x0];
	s24 =	simm.s32 $0x1F60;
	v63 =	vadd.f32 $-1.000000000e+00, v0;
	v4 =	vpop (erf);
	(erf) = vpow2.f32 v3  }
0xc7: {  	s21 =	sadd.s32 $0x1, s21;
	s23 =	simm.s32 $0xD320;
	v12 =	vmul.f32 v62, v12;
	v0 =	vsub.f32 $1.000000000e+00, v9;
	v9 =	vld [tilespmem:s24+$0x10];
	v5 =	vpop (erf);
	(erf) = vpow2.f32 v13  }
0xc8: {  	s11 =	simm.s32 $0x5BE0;
	s9 =	simm.s32 $0x80;
	s22 =	sadd.s32 s20, s10;
	[tilespmem:s23+$0x10] =	vst v15;
	v11 =	vsub.f32 $1.000000000e+00, v10;
	v10 =	vld [tilespmem:s24+$0xFFFFFFE0];
	v13 =	vmul.f32 $1.442695020e+00, v18;
	v3 =	vpop (erf);
	v14 =	vmul.f32 v63, v14  }
.LBB2_5:
0xc9: {  	v15 =	vld [tilespmem:s11+$0x10];
	v16 =	vmul.f32 $1.442695020e+00, v12;
	v0 =	vmul.f32 v4, v0  }
0xca: {  	v4 =	vld.idx.msk [tilespmem:v6+s28+$0x0], $0xffff;
	v6 =	vmul.f32 $1.442695020e+00, v14;
	(erf) = vpow2.f32 v13  }
0xcb: {  	s9 =	sadd.s32 $0x40, s9;
	v5 =	vmul.f32 v5, v11;
	v13 =	vld [tilespmem:s11+$0xFFFFFFE0];
	(erf) = vpow2.f32 v16;
	v7 =	vsub.f32 $1.000000000e+00, v7  }
0xcc: {  	p1 =	slt.u32 s9, $0x1DC0;
	v11 =	vld [tilespmem:s11+$0xFFFFFFF0];
	v12 =	vpop (erf);
	v9 =	vsub.f32 $1.000000000e+00, v9;
	(erf) = vpow2.f32 v6;
	v6 =	vsub.f32 $1.000000000e+00, v0  }
0xcd: {  	v5 =	vsub.f32 $1.000000000e+00, v5;
	v14 =	vld [tilespmem:s11+$0x0];
	v0 =	vsub.f32 $1.000000000e+00, v10;
	v10 =	vpop (erf);
	v3 =	vmul.f32 v3, v7  }
0xce: {  	v7 =	vld.idx.msk [tilespmem:v8+s28+$0x0], $0xffff;
	v8 =	vadd.f32 $-1.000000000e+00, v12;
	v12 =	vpop (erf);
	v9 =	vmul.f32 v10, v9;
	[tilespmem:s23+$0xFFFFFFE0] =	vst v6  }
0xcf: {  	v6 =	vmul.f32 $5.129898550e+00, v15;
	v10 =	vadd.f32 $-1.000000000e+00, v12;
	v12 =	vld.idx.msk [tilespmem:v1+s28+$0x0], $0xffff;
	v1 =	vpop (erf);
	[tilespmem:s23+$0xFFFFFFF0] =	vst v5;
	v3 =	vsub.f32 $1.000000000e+00, v3  }
0xd0: {  	v5 =	vmul.f32 $5.129898550e+00, v13;
	v15 =	vld.idx.msk [tilespmem:v2+s28+$0x0], $0xffff;
	v2 =	vmul.f32 v8, v4;
	v4 =	vpop (erf);
	v8 =	vsub.f32 $1.000000000e+00, v9  }
0xd1: {  	s25 =	sadd.s32 $0x40, s25;
	v13 =	vadd.f32 $-1.000000000e+00, v1;
	v9 =	vmul.f32 $5.129898550e+00, v11;
	v11 =	vmul.f32 $1.442695020e+00, v6;
	v16 =	vld [tilespmem:s24+$0xFFFFFFF0];
	[tilespmem:s23+$0x0] =	vst v3;
	s23 =	sadd.s32 $0x40, s23  }
0xd2: {  	v19 =	vmul.f32 $5.129898550e+00, v14;
	v6 =	vld [tilespmem:s25+$0x10];
	v14 =	vadd.f32 $-1.000000000e+00, v4;
	v17 =	vmul.f32 $1.442695020e+00, v2;
	[tilespmem:s23+$0x10] =	vst v8  }
0xd3: {  	v18 =	vmul.f32 $1.442695020e+00, v5;
	v1 =	vld [tilespmem:s25+$0xFFFFFFF0];
	(erf) = vpow2.f32 v11;
	v4 =	vpop (erf)  }
.Ltmp1:
0xd4: {  	v9 =	vmul.f32 $1.442695020e+00, v9;
	v2 =	vld [tilespmem:s25+$0x0];
	(erf) = vpow2.f32 v17;
	v5 =	vpop (erf);
	(pc) =	sbr.rel @p1 .LBB2_5-.Ltmp1, $4  }
0xd5: {  	v17 =	vmul.f32 $1.442695020e+00, v19;
	v8 =	vld [tilespmem:s25+$0xFFFFFFE0];
	(erf) = vpow2.f32 v18;
	v3 =	vpop (erf)  }
0xd6: {  	v10 =	vmul.f32 v10, v7;
	(erf) = vpow2.f32 v9;
	v11 =	vsub.f32 $1.000000000e+00, v16;
	v7 =	vld [tilespmem:s24+$0x0];
	s24 =	sadd.s32 $0x40, s24  }
0xd7: {  	v12 =	vmul.f32 v13, v12;
	(erf) = vpow2.f32 v17;
	v9 =	vld [tilespmem:s24+$0x10]  }
0xd8: {  	s11 =	sadd.s32 $0x40, s11;
	v13 =	vmul.f32 $1.442695020e+00, v10;
	v14 =	vmul.f32 v14, v15;
	v10 =	vld [tilespmem:s24+$0xFFFFFFE0]  }
0xd9: {  	_ =	sdelay $0x3  }
0xda: {  	v6 =	vld.idx.msk [tilespmem:v6+s28+$0x0], $0xffff  }
0xdb: {  	v8 =	vld.idx.msk [tilespmem:v8+s28+$0x0], $0xffff;
	v15 =	vpop (erf)  }
0xdc: {  	v1 =	vld.idx.msk [tilespmem:v1+s28+$0x0], $0xffff;
	v16 =	vpop (erf)  }
0xdd: {  	v12 =	vmul.f32 $1.442695020e+00, v12;
	v2 =	vld.idx.msk [tilespmem:v2+s28+$0x0], $0xffff;
	v15 =	vadd.f32 $-1.000000000e+00, v15;
	v17 =	vpop (erf)  }
0xde: {  	v14 =	vmul.f32 $1.442695020e+00, v14;
	(erf) = vpow2.f32 v13;
	v32 =	vadd.f32 $-1.000000000e+00, v17;
	v33 =	vpop (erf)  }
0xdf: {  	(erf) = vpow2.f32 v12;
	v6 =	vmul.f32 v15, v6;
	v34 =	vpop (erf);
	v35 =	vadd.f32 $-1.000000000e+00, v33  }
0xe0: {  	(erf) = vpow2.f32 v14;
	v8 =	vmul.f32 v32, v8;
	v12 =	vadd.f32 $-1.000000000e+00, v34  }
0xe1: {  	v6 =	vmul.f32 $1.442695020e+00, v6;
	v1 =	vmul.f32 v35, v1  }
0xe2: {  	v8 =	vmul.f32 $1.442695020e+00, v8;
	v2 =	vmul.f32 v12, v2  }
0xe3: {  	(erf) = vpow2.f32 v6;
	v1 =	vmul.f32 $1.442695020e+00, v1  }
0xe4: {  	v36 =	vld [tilespmem:s24+$0xFFFFFFF0];
	v2 =	vmul.f32 $1.442695020e+00, v2;
	(erf) = vpow2.f32 v8  }
0xe5: {  	v37 =	vld [tilespmem:s24+$0x0];
	s9 =	sadd.s32 $0x40, s24;
	v41 =	vsub.f32 $1.000000000e+00, v9;
	(erf) = vpow2.f32 v1  }
0xe6: {  	v0 =	vmul.f32 v4, v0;
	v39 =	vld [tilespmem:s9+$0x10];
	(erf) = vpow2.f32 v2  }
0xe7: {  	v40 =	vmul.f32 v5, v11;
	v42 =	vld [tilespmem:s9+$0xFFFFFFE0];
	v38 =	vsub.f32 $1.000000000e+00, v7;
	v5 =	vmul.f32 v16, v41  }
0xe8: {  	v44 =	vld [tilespmem:s9+$0xFFFFFFF0];
	v0 =	vsub.f32 $1.000000000e+00, v0;
	v43 =	vsub.f32 $1.000000000e+00, v10  }
0xe9: {  	v46 =	vld [tilespmem:s9+$0x0];
	v49 =	vsub.f32 $1.000000000e+00, v5;
	v6 =	vsub.f32 $1.000000000e+00, v36;
	v45 =	vpop (erf);
	v1 =	vmul.f32 v3, v38  }
0xea: {  	s24 =	sadd.s32 $0x40, s23;
	[tilespmem:s23+$0xFFFFFFE0] =	vst v0;
	v8 =	vsub.f32 $1.000000000e+00, v37;
	v9 =	vmul.f32 v45, v43;
	v2 =	vsub.f32 $1.000000000e+00, v40;
	v48 =	vpop (erf)  }
0xeb: {  	v4 =	vsub.f32 $1.000000000e+00, v39;
	[tilespmem:s24+$0x10] =	vst v49;
	v47 =	vsub.f32 $1.000000000e+00, v1;
	v50 =	vpop (erf);
	v1 =	vmul.f32 v48, v6  }
0xec: {  	v52 =	vsub.f32 $1.000000000e+00, v42;
	v51 =	vsub.f32 $1.000000000e+00, v9;
	[tilespmem:s23+$0xFFFFFFF0] =	vst v2;
	v5 =	vmul.f32 v50, v8;
	v53 =	vpop (erf)  }
0xed: {  	v3 =	vsub.f32 $1.000000000e+00, v44;
	[tilespmem:s23+$0x0] =	vst v47;
	v1 =	vsub.f32 $1.000000000e+00, v1;
	v54 =	vmul.f32 v53, v4;
	v55 =	vpop (erf)  }
0xee: {  	v58 =	vsub.f32 $1.000000000e+00, v46;
	[tilespmem:s24+$0xFFFFFFE0] =	vst v51;
	v56 =	vsub.f32 $1.000000000e+00, v5;
	v57 =	vpop (erf);
	v4 =	vmul.f32 v55, v52  }
0xef: {  	[tilespmem:s24+$0xFFFFFFF0] =	vst v1;
	v59 =	vsub.f32 $1.000000000e+00, v54;
	v60 =	vpop (erf);
	v3 =	vmul.f32 v57, v3  }
0xf0: {  	s9 =	sadd.s32 $0x40, s24;
	[tilespmem:s24+$0x0] =	vst v56;
	v61 =	vsub.f32 $1.000000000e+00, v4;
	v2 =	vmul.f32 v60, v58  }
0xf1: {  	[tilespmem:s9+$0x10] =	vst v59;
	v62 =	vsub.f32 $1.000000000e+00, v3  }
0xf2: {  	[tilespmem:s9+$0xFFFFFFE0] =	vst v61;
	v63 =	vsub.f32 $1.000000000e+00, v2  }
0xf3: {  	s11 =	sshrl.u32 s22, $0x3;
	[tilespmem:s9+$0xFFFFFFF0] =	vst v62  }
0xf4: {  	s25 =	sadd.s32 s6, s11;
	[tilespmem:s9+$0x0] =	vst v63;
	s9 =	sadd.s32 @!p0 s20, s17  }
0xf5: {  	[hbm4b:s25+s7] =	stream.linear.scatter [tilespmem:s31], [sflag:$0x4], $0x1E00, $0x38;
	[tilespmem:$0xF100] =	vst v63  }
0xf6: {  	s9 =	sshrl.u32 @!p0 s9, $0x3  }
0xf7: {  	s22 =	simm.s32 @!p0 $0x1F00;
	s20 =	simm.s32 @!p0 $0x0;
	s11 =	sadd.s32 @!p0 s1, s9  }
0xf8: {  	[tilespmem:s22], [sflag:$0x2] =	stream.linear.gather @!p0 [hbm4b:s11+s20], $0x1E00, $0x38;
	[tilespmem:$0xF100] =	vst v63  }
0xf9: {  	s11 =	sadd.s32 @!p0 s2, s9;
	s22 =	simm.s32 @!p0 $0x5B00  }
0xfa: {  	[tilespmem:s22], [sflag:$0x2] =	stream.linear.gather @!p0 [hbm4b:s11+s20], $0x1E00, $0x38;
	[tilespmem:$0xF100] =	vst v63  }
0xfb: {  	p1 =	sne.s32 @!p0 s21, $0x5;
	s9 =	sadd.s32 @!p0 s3, s9;
	s11 =	simm.s32 @!p0 $0x9700  }
0xfc: {  	[tilespmem:s11], [sflag:$0x2] =	stream.linear.gather @!p0 [hbm4b:s9+s20], $0x1E00, $0x38;
	[tilespmem:$0xF100] =	vst v63  }
0xfd: {  	p0 =	por p0, !p1  }
.Ltmp2:
0xfe: {  	_ = 	snop;
	(pc) =	sbr.rel @!p0 .LBB2_2-.Ltmp2, $1  }
0xff: {  	_ =	sdelay $0x3  }
0x100: {  	s5 =	sadd.s32 $0x1, s5  }
0x101: {  	_ =	swait.ge [sflag:s4], $0x1E00;
	p0 =	sne.s32 s5, s18  }
.Ltmp3:
0x102: {  	[sflag:s4] =	ssyncset.done $0x0;
	(pc) =	sbr.rel @p0 .LBB2_1-.Ltmp3, $4  }
0x103: {  	[sflag:s4] =	ssyncadd.s32 $0xFFFFE200  }
0x104: {  	_ =	swait.ge [sflag:s0], $0x1E00  }
0x105: {  	[sflag:s0] =	ssyncset.done $0x0  }
0x106: {  	[sflag:s0] =	ssyncadd.s32 $0xFFFFE200  }
0x107: {  	_ =	sfence.sel $0x180000  }
0x108: {  	[bflag:$0x0] =	sbarrier.arrive $0xFFFF  }
0x109: {  	_ =	strace $0x90000047  }
0x10a: {  	s0 =	stileid.u32;
	[bflag:$0x2] =	sbarrier.arrive $0xFFFF  }
0x10b: {  	p0 =	sne.s32 s0, $0x0;
	s0 =	rddreg [dreg:$0x5]  }
0x10c: {  	s0 =	sadd.s32 @!p0 $0x100000, s0  }
0x10d: {  	[sflag:s0] =	ssyncadd.tile.s32 @!p0 $0x1;
	_ =	shalt  }
.Lfunc_end2:
_tile_overlayer_lowered:
.L_overlay_start_2:
0x10e: {  	(tag) =	ssettag $0x2  }
0x10f: {  	s0 =	rddreg [dreg:$0x0];
	s2 =	stileid.u32  }
0x110: {  	s1 =	rddreg [dreg:$0x1];
	p0 =	sne.s32 s2, $0x0  }
0x111: {  	s3 =	rddreg [dreg:$0x2];
	[bflag:$0x3] =	sbarrier.arrive $0xFFFF;
	s2 =	simm.s32 @!p0 $0x1C05  }
0x112: {  	[timem:s3], [sflag:s2] =	dma.local @!p0 [hbm:s0], s1  }
0x113: {  	s0 =	simm.s32 @!p0 $0x5  }
0x114: {  	_ =	swait.ge @!p0 [sflag:s0], s1  }
0x115: {  	s1 =	ssub.s32 @!p0 $0x0, s1;
	[sflag:s0] =	ssyncset.done @!p0 $0x0  }
0x116: {  	[sflag:s0] =	ssyncadd.s32 @!p0 s1  }
0x117: {  	[bflag:$0x3] =	sbarrier.arrive $0xFFFF  }
0x118: {  	_ =	shalt  }

</sc_bundles>
